<compile_context>
chip_gen: v7x
topology: tpu7x:2x2x1
jax: 0.10.2.dev20260603
libtpu: 0.0.44.dev20260713+nightly
codegen_flags: <defaults>
</compile_context>

<pallas_src>
import functools

import jax
import jax.numpy as jnp
import numpy as np
from jax import lax
from jax.experimental import pallas as pl
from jax.experimental.pallas import tpu as pltpu
from jax.experimental.pallas import tpu_sc as plsc

_HIDDEN = 128
_TABLE_ROWS = 1000
_IDX_CHUNK = 128
_LANES = 16


def _sc_gather(table, idx3, n_rows):
    nw, n_ch, ch = idx3.shape
    rows_per_w = n_ch * ch
    mesh = plsc.VectorSubcoreMesh(core_axis_name="c", subcore_axis_name="s")

    @functools.partial(
        pl.kernel,
        mesh=mesh,
        out_type=jax.ShapeDtypeStruct((n_rows, _HIDDEN), jnp.float32),
        scratch_types=[
            pltpu.VMEM((n_ch, _IDX_CHUNK), jnp.int32),
            pltpu.VMEM((rows_per_w, _HIDDEN), jnp.float32),
            pltpu.VMEM((128, _HIDDEN), jnp.float32),
            pltpu.VMEM_SHARED((_TABLE_ROWS, _HIDDEN), jnp.float32),
            pltpu.SemaphoreType.DMA,
            pltpu.SemaphoreType.DMA,
        ],
    )
    def gather_kernel(table_hbm, idx_hbm, out_hbm, idx_v, rows_v, stage_v, tab_sh,
                      gsem, ssem):
        num_cores = lax.axis_size("c")
        sid = lax.axis_index("s")
        wid = sid * num_cores + lax.axis_index("c")
        base = wid * rows_per_w
        @pl.when(sid < 8)
        def _stage():
            start = jnp.where(sid < 7, sid * 128, _TABLE_ROWS - 128)
            pltpu.sync_copy(table_hbm.at[pl.ds(start, 128)], stage_v)
            pltpu.sync_copy(stage_v, tab_sh.at[pl.ds(start, 128)])

        pltpu.sync_copy(idx_hbm.at[wid], idx_v)
        plsc.subcore_barrier()
        gathers = [
            pltpu.async_copy(
                tab_sh.at[idx_v.at[c]],
                rows_v.at[pl.ds(c * _IDX_CHUNK, _IDX_CHUNK)],
                gsem,
            )
            for c in range(n_ch)
        ]
        scatters = []
        for c in range(n_ch):
            gathers[c].wait()
            scatters.append(
                pltpu.async_copy(
                    rows_v.at[pl.ds(c * _IDX_CHUNK, _IDX_CHUNK)],
                    out_hbm.at[pl.ds(base + c * _IDX_CHUNK, _IDX_CHUNK)],
                    ssem,
                )
            )
        for s in scatters:
            s.wait()

    return gather_kernel(table, idx3)


def _add_body(f_ref, p_ref, o_ref):
    pos = p_ref[...]
    o_ref[...] = f_ref[...] + pos[None, :, :]


def _add_body_aliased(_prev_ref, f_ref, p_ref, o_ref):
    pos = p_ref[...]
    o_ref[...] = f_ref[...] + pos[None, :, :]


def _tc_add_half(ft, pos_half, out_prev, half):
    t, n, d = ft.shape
    hn = pos_half.shape[0]
    grid = (1, t)
    if out_prev is None:
        return pl.pallas_call(
            _add_body,
            grid=grid,
            in_specs=[
                pl.BlockSpec((1, hn, d), lambda j, i, h=half: (i, h, 0)),
                pl.BlockSpec((hn, d), lambda j, i: (0, 0)),
            ],
            out_specs=pl.BlockSpec((1, hn, d), lambda j, i, h=half: (i, h, 0)),
            out_shape=jax.ShapeDtypeStruct((t, n, d), ft.dtype),
        )(ft, pos_half)
    return pl.pallas_call(
        _add_body_aliased,
        grid=grid,
        in_specs=[
            pl.BlockSpec(memory_space=pl.ANY),
            pl.BlockSpec((1, hn, d), lambda j, i, h=half: (i, h, 0)),
            pl.BlockSpec((hn, d), lambda j, i: (0, 0)),
        ],
        out_specs=pl.BlockSpec((1, hn, d), lambda j, i, h=half: (i, h, 0)),
        out_shape=jax.ShapeDtypeStruct((t, n, d), ft.dtype),
        input_output_aliases={0: 0},
    )(out_prev, ft, pos_half)


def kernel(features, temporal_embedding):
    n = features.shape[0]
    temporal_pos = jnp.linspace(0.0, 1.0, n, dtype=features.dtype)
    idx = jnp.clip(temporal_pos * _TABLE_ROWS, 0, _TABLE_ROWS - 1).astype(jnp.int32)

    info = plsc.get_sparse_core_info()
    nw = info.num_cores * info.num_subcores
    half_n = n // 2
    idx_a = lax.slice(idx, (0,), (half_n,)).reshape(nw, -1, _IDX_CHUNK)
    idx_b = lax.slice(idx, (half_n,), (n,)).reshape(nw, -1, _IDX_CHUNK)

    pos_a = _sc_gather(temporal_embedding, idx_a, half_n)
    pos_b = _sc_gather(temporal_embedding, idx_b, half_n)

    ft = jnp.transpose(features, (1, 0, 2))
    out_t = _tc_add_half(ft, pos_a, None, half=0)
    out_t = _tc_add_half(ft, pos_b, out_t, half=1)
    return jnp.transpose(out_t, (1, 0, 2))

# --- scband reference (transcript-rebuilt; emitter-appended) ---
"""Pipeline reference for scband-positional-encoding-timestamp-3985729651504 (READ-ONLY COPY).

The authoritative reference and input builder live on the scoring server;
editing this copy changes nothing except your own understanding.
"""

import jax, jax.numpy as jnp
import numpy as np

HIDDEN_DIM = 128
NUM_INDICES = 1000

def setup_inputs(seed: int = 0) -> dict:
    key = jax.random.key(seed)
    k1, k2 = jax.random.split(key)
    features = jax.random.normal(k1, (16384, 20, HIDDEN_DIM), dtype=jnp.float32)
    temporal_embedding = jax.random.normal(k2, (NUM_INDICES, HIDDEN_DIM), dtype=jnp.float32) * 0.02
    return {"features": features, "temporal_embedding": temporal_embedding}

def reference(features, temporal_embedding):
    N = features.shape[0]
    temporal_pos = jnp.linspace(0.0, 1.0, N, dtype=features.dtype)
    temporal_indices = jnp.clip(temporal_pos * NUM_INDICES, 0, NUM_INDICES - 1).astype(jnp.int32)
    pos_embedding = jnp.take(temporal_embedding, temporal_indices, axis=0)
    if features.ndim == 3:
        pos_embedding = pos_embedding[:, None, :]
    return features + pos_embedding

if __name__ == "__main__":
    import jax
    _d = setup_inputs()
    print(jax.jit(kernel)(*tuple(_d.values())))

</pallas_src>

<mosaic_0001>
#map = affine_map<(d0, d1) -> (0, 0)>
#map1 = affine_map<(d0, d1) -> (0, 0, 0)>
module attributes {stable_mosaic.version = 14 : i64} {
  func.func @gather_kernel(%arg0: i32, %arg1: i32, %arg2: memref<1000x128xf32, #tpu.memory_space<hbm>>, %arg3: memref<32x2x128xi32, #tpu.memory_space<hbm>>, %arg4: memref<8192x128xf32, #tpu.memory_space<hbm>>, %arg5: memref<2x128xi32, #tpu.memory_space<vmem>>, %arg6: memref<256x128xf32, #tpu.memory_space<vmem>>, %arg7: memref<128x128xf32, #tpu.memory_space<vmem>>, %arg8: memref<1000x128xf32, #tpu.memory_space<vmem_shared>>, %arg9: memref<!tpu.dma_semaphore, #tpu.memory_space<semaphore_mem>>, %arg10: memref<!tpu.dma_semaphore, #tpu.memory_space<semaphore_mem>>) attributes {dimension_semantics = [#tpu.dimension_semantics<core_parallel>, #tpu.dimension_semantics<subcore_parallel>], iteration_bounds = array<i64: 2, 16>, scalar_prefetch = 0 : i64, scratch_operands = 6 : i64, tpu.core_type = #tpu.core_type<sc_vector_subcore>, window_params = [{transform_indices = #map}, {transform_indices = #map1}, {transform_indices = #map}]} {
    %mul3A = arith.constant 2 : i32
    %mul3A_0 = arith.muli %arg1, %mul3A : i32
    %add3A = arith.addi %mul3A_0, %arg0 : i32
    %mul3A_1 = arith.constant 256 : i32
    %mul3A_2 = arith.muli %add3A, %mul3A_1 : i32
    %lt3A = arith.constant 8 : i32
    %lt3A_3 = arith.cmpi slt, %arg1, %lt3A : i32
    %convert_element_type3A = arith.extui %lt3A_3 : i1 to i32
    %cond3A = arith.constant 0 : i32
    %cond3A_4 = arith.cmpi ne, %convert_element_type3A, %cond3A : i32
    scf.if %cond3A_4 {
      %lt3A_87 = arith.constant 7 : i32
      %lt3A_88 = arith.cmpi slt, %arg1, %lt3A_87 : i32
      %mul3A_89 = arith.constant 128 : i32
      %mul3A_90 = arith.muli %arg1, %mul3A_89 : i32
      %jit3A = arith.constant 872 : i32
      %select_n3A = arith.select %lt3A_88, %mul3A_90, %jit3A : i32
      "tpu.region"() ({
        %run_scoped3A = tpu.sem_alloc : memref<!tpu.dma_semaphore, #tpu.memory_space<semaphore_mem>>
        %dma_start3A_91 = arith.constant 0 : i32
        %dma_start3A_92 = tpu.memref_slice %arg2[%select_n3A, %dma_start3A_91] : memref<1000x128xf32, #tpu.memory_space<hbm>> -> memref<128x128xf32, #tpu.memory_space<hbm>>
        %dma_start3A_93 = arith.constant 0 : i32
        %dma_start3A_94 = tpu.memref_slice %arg2[%select_n3A, %dma_start3A_93] : memref<1000x128xf32, #tpu.memory_space<hbm>> -> memref<128x128xf32, #tpu.memory_space<hbm>>
        tpu.enqueue_dma source(%dma_start3A_94 : memref<128x128xf32, #tpu.memory_space<hbm>>) target(%arg7 : memref<128x128xf32, #tpu.memory_space<vmem>>) target_semaphore(%run_scoped3A : memref<!tpu.dma_semaphore, #tpu.memory_space<semaphore_mem>>)
        %dma_wait3A_95 = arith.constant 0 : i32
        %dma_wait3A_96 = tpu.memref_slice %arg2[%select_n3A, %dma_wait3A_95] : memref<1000x128xf32, #tpu.memory_space<hbm>> -> memref<128x128xf32, #tpu.memory_space<hbm>>
        %dma_wait3A_97 = arith.constant 0 : i32
        %dma_wait3A_98 = tpu.memref_slice %arg2[%select_n3A, %dma_wait3A_97] : memref<1000x128xf32, #tpu.memory_space<hbm>> -> memref<128x128xf32, #tpu.memory_space<hbm>>
        tpu.wait_dma2 semaphore(%run_scoped3A : memref<!tpu.dma_semaphore, #tpu.memory_space<semaphore_mem>>) src(%dma_wait3A_98 : memref<128x128xf32, #tpu.memory_space<hbm>>) dst(%arg7 : memref<128x128xf32, #tpu.memory_space<vmem>>)
        tpu.yield
      }) : () -> ()
      "tpu.region"() ({
        %run_scoped3A = tpu.sem_alloc : memref<!tpu.dma_semaphore, #tpu.memory_space<semaphore_mem>>
        %dma_start3A_91 = arith.constant 0 : i32
        %dma_start3A_92 = tpu.memref_slice %arg8[%select_n3A, %dma_start3A_91] : memref<1000x128xf32, #tpu.memory_space<vmem_shared>> -> memref<128x128xf32, #tpu.memory_space<vmem_shared>>
        %dma_start3A_93 = arith.constant 0 : i32
        %dma_start3A_94 = tpu.memref_slice %arg8[%select_n3A, %dma_start3A_93] : memref<1000x128xf32, #tpu.memory_space<vmem_shared>> -> memref<128x128xf32, #tpu.memory_space<vmem_shared>>
        tpu.enqueue_dma source(%arg7 : memref<128x128xf32, #tpu.memory_space<vmem>>) target(%dma_start3A_94 : memref<128x128xf32, #tpu.memory_space<vmem_shared>>) target_semaphore(%run_scoped3A : memref<!tpu.dma_semaphore, #tpu.memory_space<semaphore_mem>>)
        %dma_wait3A_95 = arith.constant 0 : i32
        %dma_wait3A_96 = tpu.memref_slice %arg8[%select_n3A, %dma_wait3A_95] : memref<1000x128xf32, #tpu.memory_space<vmem_shared>> -> memref<128x128xf32, #tpu.memory_space<vmem_shared>>
        %dma_wait3A_97 = arith.constant 0 : i32
        %dma_wait3A_98 = tpu.memref_slice %arg8[%select_n3A, %dma_wait3A_97] : memref<1000x128xf32, #tpu.memory_space<vmem_shared>> -> memref<128x128xf32, #tpu.memory_space<vmem_shared>>
        tpu.wait_dma2 semaphore(%run_scoped3A : memref<!tpu.dma_semaphore, #tpu.memory_space<semaphore_mem>>) src(%arg7 : memref<128x128xf32, #tpu.memory_space<vmem>>) dst(%dma_wait3A_98 : memref<128x128xf32, #tpu.memory_space<vmem_shared>>)
        tpu.yield
      }) : () -> ()
    } else {
    }
    "tpu.region"() ({
      %run_scoped3A = tpu.sem_alloc : memref<!tpu.dma_semaphore, #tpu.memory_space<semaphore_mem>>
      %dma_start3A_87 = arith.constant 0 : i32
      %dma_start3A_88 = arith.constant 0 : i32
      %dma_start3A_89 = tpu.memref_slice %arg3[%add3A, %dma_start3A_87, %dma_start3A_88] : memref<32x2x128xi32, #tpu.memory_space<hbm>> -> memref<1x2x128xi32, #tpu.memory_space<hbm>>
      %dma_start3A_90 = tpu.memref_squeeze %dma_start3A_89 : memref<1x2x128xi32, #tpu.memory_space<hbm>> -> memref<2x128xi32, #tpu.memory_space<hbm>>
      %dma_start3A_91 = arith.constant 0 : i32
      %dma_start3A_92 = arith.constant 0 : i32
      %dma_start3A_93 = tpu.memref_slice %arg3[%add3A, %dma_start3A_91, %dma_start3A_92] : memref<32x2x128xi32, #tpu.memory_space<hbm>> -> memref<1x2x128xi32, #tpu.memory_space<hbm>>
      %dma_start3A_94 = tpu.memref_squeeze %dma_start3A_93 : memref<1x2x128xi32, #tpu.memory_space<hbm>> -> memref<2x128xi32, #tpu.memory_space<hbm>>
      tpu.enqueue_dma source(%dma_start3A_94 : memref<2x128xi32, #tpu.memory_space<hbm>>) target(%arg5 : memref<2x128xi32, #tpu.memory_space<vmem>>) target_semaphore(%run_scoped3A : memref<!tpu.dma_semaphore, #tpu.memory_space<semaphore_mem>>)
      %dma_wait3A_95 = arith.constant 0 : i32
      %dma_wait3A_96 = arith.constant 0 : i32
      %dma_wait3A_97 = tpu.memref_slice %arg3[%add3A, %dma_wait3A_95, %dma_wait3A_96] : memref<32x2x128xi32, #tpu.memory_space<hbm>> -> memref<1x2x128xi32, #tpu.memory_space<hbm>>
      %dma_wait3A_98 = tpu.memref_squeeze %dma_wait3A_97 : memref<1x2x128xi32, #tpu.memory_space<hbm>> -> memref<2x128xi32, #tpu.memory_space<hbm>>
      %dma_wait3A_99 = arith.constant 0 : i32
      %dma_wait3A_100 = arith.constant 0 : i32
      %dma_wait3A_101 = tpu.memref_slice %arg3[%add3A, %dma_wait3A_99, %dma_wait3A_100] : memref<32x2x128xi32, #tpu.memory_space<hbm>> -> memref<1x2x128xi32, #tpu.memory_space<hbm>>
      %dma_wait3A_102 = tpu.memref_squeeze %dma_wait3A_101 : memref<1x2x128xi32, #tpu.memory_space<hbm>> -> memref<2x128xi32, #tpu.memory_space<hbm>>
      tpu.wait_dma2 semaphore(%run_scoped3A : memref<!tpu.dma_semaphore, #tpu.memory_space<semaphore_mem>>) src(%dma_wait3A_102 : memref<2x128xi32, #tpu.memory_space<hbm>>) dst(%arg5 : memref<2x128xi32, #tpu.memory_space<vmem>>)
      tpu.yield
    }) : () -> ()
    %barrier3A = arith.constant 0 : index
    tpu.barrier barrier_id(%barrier3A)
    %dma_start3A = arith.constant 0 : i32
    %dma_start3A_5 = arith.constant 0 : i32
    %dma_start3A_6 = arith.constant 0 : i32
    %dma_start3A_7 = tpu.memref_slice %arg6[%dma_start3A_5, %dma_start3A_6] : memref<256x128xf32, #tpu.memory_space<vmem>> -> memref<128x128xf32, #tpu.memory_space<vmem>>
    %dma_start3A_8 = arith.constant 0 : i32
    %dma_start3A_9 = tpu.memref_slice %arg5[%dma_start3A, %dma_start3A_8] : memref<2x128xi32, #tpu.memory_space<vmem>> -> memref<1x128xi32, #tpu.memory_space<vmem>>
    %dma_start3A_10 = tpu.memref_squeeze %dma_start3A_9 : memref<1x128xi32, #tpu.memory_space<vmem>> -> memref<128xi32, #tpu.memory_space<vmem>>
    %dma_start3A_11 = arith.constant 0 : i32
    %dma_start3A_12 = arith.constant 0 : i32
    %dma_start3A_13 = tpu.memref_slice %arg8[%dma_start3A_11, %dma_start3A_12] : memref<1000x128xf32, #tpu.memory_space<vmem_shared>> -> memref<1000x128xf32, #tpu.memory_space<vmem_shared>>
    tpu.enqueue_indirect_dma source(%dma_start3A_13 : memref<1000x128xf32, #tpu.memory_space<vmem_shared>>) target(%dma_start3A_7 : memref<128x128xf32, #tpu.memory_space<vmem>>) offsets(%dma_start3A_10 : memref<128xi32, #tpu.memory_space<vmem>>) semaphore(%arg9 : memref<!tpu.dma_semaphore, #tpu.memory_space<semaphore_mem>>)
    %dma_start3A_14 = arith.constant 1 : i32
    %dma_start3A_15 = arith.constant 128 : i32
    %dma_start3A_16 = arith.constant 0 : i32
    %dma_start3A_17 = tpu.memref_slice %arg6[%dma_start3A_15, %dma_start3A_16] : memref<256x128xf32, #tpu.memory_space<vmem>> -> memref<128x128xf32, #tpu.memory_space<vmem>>
    %dma_start3A_18 = arith.constant 0 : i32
    %dma_start3A_19 = tpu.memref_slice %arg5[%dma_start3A_14, %dma_start3A_18] : memref<2x128xi32, #tpu.memory_space<vmem>> -> memref<1x128xi32, #tpu.memory_space<vmem>>
    %dma_start3A_20 = tpu.memref_squeeze %dma_start3A_19 : memref<1x128xi32, #tpu.memory_space<vmem>> -> memref<128xi32, #tpu.memory_space<vmem>>
    %dma_start3A_21 = arith.constant 0 : i32
    %dma_start3A_22 = arith.constant 0 : i32
    %dma_start3A_23 = tpu.memref_slice %arg8[%dma_start3A_21, %dma_start3A_22] : memref<1000x128xf32, #tpu.memory_space<vmem_shared>> -> memref<1000x128xf32, #tpu.memory_space<vmem_shared>>
    tpu.enqueue_indirect_dma source(%dma_start3A_23 : memref<1000x128xf32, #tpu.memory_space<vmem_shared>>) target(%dma_start3A_17 : memref<128x128xf32, #tpu.memory_space<vmem>>) offsets(%dma_start3A_20 : memref<128xi32, #tpu.memory_space<vmem>>) semaphore(%arg9 : memref<!tpu.dma_semaphore, #tpu.memory_space<semaphore_mem>>)
    %dma_wait3A = arith.constant 0 : i32
    %dma_wait3A_24 = arith.constant 0 : i32
    %dma_wait3A_25 = arith.constant 0 : i32
    %dma_wait3A_26 = tpu.memref_slice %arg6[%dma_wait3A_24, %dma_wait3A_25] : memref<256x128xf32, #tpu.memory_space<vmem>> -> memref<128x128xf32, #tpu.memory_space<vmem>>
    %dma_wait3A_27 = arith.constant 0 : i32
    %dma_wait3A_28 = tpu.memref_slice %arg5[%dma_wait3A, %dma_wait3A_27] : memref<2x128xi32, #tpu.memory_space<vmem>> -> memref<1x128xi32, #tpu.memory_space<vmem>>
    %dma_wait3A_29 = tpu.memref_squeeze %dma_wait3A_28 : memref<1x128xi32, #tpu.memory_space<vmem>> -> memref<128xi32, #tpu.memory_space<vmem>>
    %dma_wait3A_30 = arith.constant 0 : i32
    %dma_wait3A_31 = arith.constant 0 : i32
    %dma_wait3A_32 = tpu.memref_slice %arg8[%dma_wait3A_30, %dma_wait3A_31] : memref<1000x128xf32, #tpu.memory_space<vmem_shared>> -> memref<1000x128xf32, #tpu.memory_space<vmem_shared>>
    tpu.wait_indirect_dma semaphore(%arg9 : memref<!tpu.dma_semaphore, #tpu.memory_space<semaphore_mem>>) src(%dma_wait3A_32 : memref<1000x128xf32, #tpu.memory_space<vmem_shared>>) dst(%dma_wait3A_26 : memref<128x128xf32, #tpu.memory_space<vmem>>)
    %add3A_33 = arith.constant 0 : i32
    %add3A_34 = arith.addi %mul3A_2, %add3A_33 : i32
    %dma_start3A_35 = arith.constant 0 : i32
    %dma_start3A_36 = arith.constant 0 : i32
    %dma_start3A_37 = tpu.memref_slice %arg6[%dma_start3A_35, %dma_start3A_36] : memref<256x128xf32, #tpu.memory_space<vmem>> -> memref<128x128xf32, #tpu.memory_space<vmem>>
    %dma_start3A_38 = arith.constant 0 : i32
    %dma_start3A_39 = tpu.memref_slice %arg4[%add3A_34, %dma_start3A_38] : memref<8192x128xf32, #tpu.memory_space<hbm>> -> memref<128x128xf32, #tpu.memory_space<hbm>>
    %dma_start3A_40 = arith.constant 0 : i32
    %dma_start3A_41 = tpu.memref_slice %arg4[%add3A_34, %dma_start3A_40] : memref<8192x128xf32, #tpu.memory_space<hbm>> -> memref<128x128xf32, #tpu.memory_space<hbm>>
    %dma_start3A_42 = arith.constant 0 : i32
    %dma_start3A_43 = arith.constant 0 : i32
    %dma_start3A_44 = tpu.memref_slice %arg6[%dma_start3A_42, %dma_start3A_43] : memref<256x128xf32, #tpu.memory_space<vmem>> -> memref<128x128xf32, #tpu.memory_space<vmem>>
    tpu.enqueue_dma source(%dma_start3A_44 : memref<128x128xf32, #tpu.memory_space<vmem>>) target(%dma_start3A_41 : memref<128x128xf32, #tpu.memory_space<hbm>>) target_semaphore(%arg10 : memref<!tpu.dma_semaphore, #tpu.memory_space<semaphore_mem>>)
    %dma_wait3A_45 = arith.constant 1 : i32
    %dma_wait3A_46 = arith.constant 128 : i32
    %dma_wait3A_47 = arith.constant 0 : i32
    %dma_wait3A_48 = tpu.memref_slice %arg6[%dma_wait3A_46, %dma_wait3A_47] : memref<256x128xf32, #tpu.memory_space<vmem>> -> memref<128x128xf32, #tpu.memory_space<vmem>>
    %dma_wait3A_49 = arith.constant 0 : i32
    %dma_wait3A_50 = tpu.memref_slice %arg5[%dma_wait3A_45, %dma_wait3A_49] : memref<2x128xi32, #tpu.memory_space<vmem>> -> memref<1x128xi32, #tpu.memory_space<vmem>>
    %dma_wait3A_51 = tpu.memref_squeeze %dma_wait3A_50 : memref<1x128xi32, #tpu.memory_space<vmem>> -> memref<128xi32, #tpu.memory_space<vmem>>
    %dma_wait3A_52 = arith.constant 0 : i32
    %dma_wait3A_53 = arith.constant 0 : i32
    %dma_wait3A_54 = tpu.memref_slice %arg8[%dma_wait3A_52, %dma_wait3A_53] : memref<1000x128xf32, #tpu.memory_space<vmem_shared>> -> memref<1000x128xf32, #tpu.memory_space<vmem_shared>>
    tpu.wait_indirect_dma semaphore(%arg9 : memref<!tpu.dma_semaphore, #tpu.memory_space<semaphore_mem>>) src(%dma_wait3A_54 : memref<1000x128xf32, #tpu.memory_space<vmem_shared>>) dst(%dma_wait3A_48 : memref<128x128xf32, #tpu.memory_space<vmem>>)
    %add3A_55 = arith.constant 128 : i32
    %add3A_56 = arith.addi %mul3A_2, %add3A_55 : i32
    %dma_start3A_57 = arith.constant 128 : i32
    %dma_start3A_58 = arith.constant 0 : i32
    %dma_start3A_59 = tpu.memref_slice %arg6[%dma_start3A_57, %dma_start3A_58] : memref<256x128xf32, #tpu.memory_space<vmem>> -> memref<128x128xf32, #tpu.memory_space<vmem>>
    %dma_start3A_60 = arith.constant 0 : i32
    %dma_start3A_61 = tpu.memref_slice %arg4[%add3A_56, %dma_start3A_60] : memref<8192x128xf32, #tpu.memory_space<hbm>> -> memref<128x128xf32, #tpu.memory_space<hbm>>
    %dma_start3A_62 = arith.constant 0 : i32
    %dma_start3A_63 = tpu.memref_slice %arg4[%add3A_56, %dma_start3A_62] : memref<8192x128xf32, #tpu.memory_space<hbm>> -> memref<128x128xf32, #tpu.memory_space<hbm>>
    %dma_start3A_64 = arith.constant 128 : i32
    %dma_start3A_65 = arith.constant 0 : i32
    %dma_start3A_66 = tpu.memref_slice %arg6[%dma_start3A_64, %dma_start3A_65] : memref<256x128xf32, #tpu.memory_space<vmem>> -> memref<128x128xf32, #tpu.memory_space<vmem>>
    tpu.enqueue_dma source(%dma_start3A_66 : memref<128x128xf32, #tpu.memory_space<vmem>>) target(%dma_start3A_63 : memref<128x128xf32, #tpu.memory_space<hbm>>) target_semaphore(%arg10 : memref<!tpu.dma_semaphore, #tpu.memory_space<semaphore_mem>>)
    %dma_wait3A_67 = arith.constant 0 : i32
    %dma_wait3A_68 = arith.constant 0 : i32
    %dma_wait3A_69 = tpu.memref_slice %arg6[%dma_wait3A_67, %dma_wait3A_68] : memref<256x128xf32, #tpu.memory_space<vmem>> -> memref<128x128xf32, #tpu.memory_space<vmem>>
    %dma_wait3A_70 = arith.constant 0 : i32
    %dma_wait3A_71 = tpu.memref_slice %arg4[%add3A_34, %dma_wait3A_70] : memref<8192x128xf32, #tpu.memory_space<hbm>> -> memref<128x128xf32, #tpu.memory_space<hbm>>
    %dma_wait3A_72 = arith.constant 0 : i32
    %dma_wait3A_73 = tpu.memref_slice %arg4[%add3A_34, %dma_wait3A_72] : memref<8192x128xf32, #tpu.memory_space<hbm>> -> memref<128x128xf32, #tpu.memory_space<hbm>>
    %dma_wait3A_74 = arith.constant 0 : i32
    %dma_wait3A_75 = arith.constant 0 : i32
    %dma_wait3A_76 = tpu.memref_slice %arg6[%dma_wait3A_74, %dma_wait3A_75] : memref<256x128xf32, #tpu.memory_space<vmem>> -> memref<128x128xf32, #tpu.memory_space<vmem>>
    tpu.wait_dma2 semaphore(%arg10 : memref<!tpu.dma_semaphore, #tpu.memory_space<semaphore_mem>>) src(%dma_wait3A_76 : memref<128x128xf32, #tpu.memory_space<vmem>>) dst(%dma_wait3A_73 : memref<128x128xf32, #tpu.memory_space<hbm>>)
    %dma_wait3A_77 = arith.constant 128 : i32
    %dma_wait3A_78 = arith.constant 0 : i32
    %dma_wait3A_79 = tpu.memref_slice %arg6[%dma_wait3A_77, %dma_wait3A_78] : memref<256x128xf32, #tpu.memory_space<vmem>> -> memref<128x128xf32, #tpu.memory_space<vmem>>
    %dma_wait3A_80 = arith.constant 0 : i32
    %dma_wait3A_81 = tpu.memref_slice %arg4[%add3A_56, %dma_wait3A_80] : memref<8192x128xf32, #tpu.memory_space<hbm>> -> memref<128x128xf32, #tpu.memory_space<hbm>>
    %dma_wait3A_82 = arith.constant 0 : i32
    %dma_wait3A_83 = tpu.memref_slice %arg4[%add3A_56, %dma_wait3A_82] : memref<8192x128xf32, #tpu.memory_space<hbm>> -> memref<128x128xf32, #tpu.memory_space<hbm>>
    %dma_wait3A_84 = arith.constant 128 : i32
    %dma_wait3A_85 = arith.constant 0 : i32
    %dma_wait3A_86 = tpu.memref_slice %arg6[%dma_wait3A_84, %dma_wait3A_85] : memref<256x128xf32, #tpu.memory_space<vmem>> -> memref<128x128xf32, #tpu.memory_space<vmem>>
    tpu.wait_dma2 semaphore(%arg10 : memref<!tpu.dma_semaphore, #tpu.memory_space<semaphore_mem>>) src(%dma_wait3A_86 : memref<128x128xf32, #tpu.memory_space<vmem>>) dst(%dma_wait3A_83 : memref<128x128xf32, #tpu.memory_space<hbm>>)
    return
  }
}

#map = affine_map<(d0, d1) -> (0, 0)>
#map1 = affine_map<(d0, d1) -> (0, 0, 0)>
module attributes {stable_mosaic.version = 14 : i64} {
  func.func @gather_kernel(%arg0: i32, %arg1: i32, %arg2: memref<1000x128xf32, #tpu.memory_space<hbm>>, %arg3: memref<32x2x128xi32, #tpu.memory_space<hbm>>, %arg4: memref<8192x128xf32, #tpu.memory_space<hbm>>, %arg5: memref<2x128xi32, #tpu.memory_space<vmem>>, %arg6: memref<256x128xf32, #tpu.memory_space<vmem>>, %arg7: memref<128x128xf32, #tpu.memory_space<vmem>>, %arg8: memref<1000x128xf32, #tpu.memory_space<vmem_shared>>, %arg9: memref<!tpu.dma_semaphore, #tpu.memory_space<semaphore_mem>>, %arg10: memref<!tpu.dma_semaphore, #tpu.memory_space<semaphore_mem>>) attributes {dimension_semantics = [#tpu.dimension_semantics<core_parallel>, #tpu.dimension_semantics<subcore_parallel>], iteration_bounds = array<i64: 2, 16>, scalar_prefetch = 0 : i64, scratch_operands = 6 : i64, tpu.core_type = #tpu.core_type<sc_vector_subcore>, window_params = [{transform_indices = #map}, {transform_indices = #map1}, {transform_indices = #map}]} {
    %mul3A = arith.constant 2 : i32
    %mul3A_0 = arith.muli %arg1, %mul3A : i32
    %add3A = arith.addi %mul3A_0, %arg0 : i32
    %mul3A_1 = arith.constant 256 : i32
    %mul3A_2 = arith.muli %add3A, %mul3A_1 : i32
    %lt3A = arith.constant 8 : i32
    %lt3A_3 = arith.cmpi slt, %arg1, %lt3A : i32
    %convert_element_type3A = arith.extui %lt3A_3 : i1 to i32
    %cond3A = arith.constant 0 : i32
    %cond3A_4 = arith.cmpi ne, %convert_element_type3A, %cond3A : i32
    scf.if %cond3A_4 {
      %lt3A_87 = arith.constant 7 : i32
      %lt3A_88 = arith.cmpi slt, %arg1, %lt3A_87 : i32
      %mul3A_89 = arith.constant 128 : i32
      %mul3A_90 = arith.muli %arg1, %mul3A_89 : i32
      %jit3A = arith.constant 872 : i32
      %select_n3A = arith.select %lt3A_88, %mul3A_90, %jit3A : i32
      "tpu.region"() ({
        %run_scoped3A = tpu.sem_alloc : memref<!tpu.dma_semaphore, #tpu.memory_space<semaphore_mem>>
        %dma_start3A_91 = arith.constant 0 : i32
        %dma_start3A_92 = tpu.memref_slice %arg2[%select_n3A, %dma_start3A_91] : memref<1000x128xf32, #tpu.memory_space<hbm>> -> memref<128x128xf32, #tpu.memory_space<hbm>>
        %dma_start3A_93 = arith.constant 0 : i32
        %dma_start3A_94 = tpu.memref_slice %arg2[%select_n3A, %dma_start3A_93] : memref<1000x128xf32, #tpu.memory_space<hbm>> -> memref<128x128xf32, #tpu.memory_space<hbm>>
        tpu.enqueue_dma source(%dma_start3A_94 : memref<128x128xf32, #tpu.memory_space<hbm>>) target(%arg7 : memref<128x128xf32, #tpu.memory_space<vmem>>) target_semaphore(%run_scoped3A : memref<!tpu.dma_semaphore, #tpu.memory_space<semaphore_mem>>)
        %dma_wait3A_95 = arith.constant 0 : i32
        %dma_wait3A_96 = tpu.memref_slice %arg2[%select_n3A, %dma_wait3A_95] : memref<1000x128xf32, #tpu.memory_space<hbm>> -> memref<128x128xf32, #tpu.memory_space<hbm>>
        %dma_wait3A_97 = arith.constant 0 : i32
        %dma_wait3A_98 = tpu.memref_slice %arg2[%select_n3A, %dma_wait3A_97] : memref<1000x128xf32, #tpu.memory_space<hbm>> -> memref<128x128xf32, #tpu.memory_space<hbm>>
        tpu.wait_dma2 semaphore(%run_scoped3A : memref<!tpu.dma_semaphore, #tpu.memory_space<semaphore_mem>>) src(%dma_wait3A_98 : memref<128x128xf32, #tpu.memory_space<hbm>>) dst(%arg7 : memref<128x128xf32, #tpu.memory_space<vmem>>)
        tpu.yield
      }) : () -> ()
      "tpu.region"() ({
        %run_scoped3A = tpu.sem_alloc : memref<!tpu.dma_semaphore, #tpu.memory_space<semaphore_mem>>
        %dma_start3A_91 = arith.constant 0 : i32
        %dma_start3A_92 = tpu.memref_slice %arg8[%select_n3A, %dma_start3A_91] : memref<1000x128xf32, #tpu.memory_space<vmem_shared>> -> memref<128x128xf32, #tpu.memory_space<vmem_shared>>
        %dma_start3A_93 = arith.constant 0 : i32
        %dma_start3A_94 = tpu.memref_slice %arg8[%select_n3A, %dma_start3A_93] : memref<1000x128xf32, #tpu.memory_space<vmem_shared>> -> memref<128x128xf32, #tpu.memory_space<vmem_shared>>
        tpu.enqueue_dma source(%arg7 : memref<128x128xf32, #tpu.memory_space<vmem>>) target(%dma_start3A_94 : memref<128x128xf32, #tpu.memory_space<vmem_shared>>) target_semaphore(%run_scoped3A : memref<!tpu.dma_semaphore, #tpu.memory_space<semaphore_mem>>)
        %dma_wait3A_95 = arith.constant 0 : i32
        %dma_wait3A_96 = tpu.memref_slice %arg8[%select_n3A, %dma_wait3A_95] : memref<1000x128xf32, #tpu.memory_space<vmem_shared>> -> memref<128x128xf32, #tpu.memory_space<vmem_shared>>
        %dma_wait3A_97 = arith.constant 0 : i32
        %dma_wait3A_98 = tpu.memref_slice %arg8[%select_n3A, %dma_wait3A_97] : memref<1000x128xf32, #tpu.memory_space<vmem_shared>> -> memref<128x128xf32, #tpu.memory_space<vmem_shared>>
        tpu.wait_dma2 semaphore(%run_scoped3A : memref<!tpu.dma_semaphore, #tpu.memory_space<semaphore_mem>>) src(%arg7 : memref<128x128xf32, #tpu.memory_space<vmem>>) dst(%dma_wait3A_98 : memref<128x128xf32, #tpu.memory_space<vmem_shared>>)
        tpu.yield
      }) : () -> ()
    } else {
    }
    "tpu.region"() ({
      %run_scoped3A = tpu.sem_alloc : memref<!tpu.dma_semaphore, #tpu.memory_space<semaphore_mem>>
      %dma_start3A_87 = arith.constant 0 : i32
      %dma_start3A_88 = arith.constant 0 : i32
      %dma_start3A_89 = tpu.memref_slice %arg3[%add3A, %dma_start3A_87, %dma_start3A_88] : memref<32x2x128xi32, #tpu.memory_space<hbm>> -> memref<1x2x128xi32, #tpu.memory_space<hbm>>
      %dma_start3A_90 = tpu.memref_squeeze %dma_start3A_89 : memref<1x2x128xi32, #tpu.memory_space<hbm>> -> memref<2x128xi32, #tpu.memory_space<hbm>>
      %dma_start3A_91 = arith.constant 0 : i32
      %dma_start3A_92 = arith.constant 0 : i32
      %dma_start3A_93 = tpu.memref_slice %arg3[%add3A, %dma_start3A_91, %dma_start3A_92] : memref<32x2x128xi32, #tpu.memory_space<hbm>> -> memref<1x2x128xi32, #tpu.memory_space<hbm>>
      %dma_start3A_94 = tpu.memref_squeeze %dma_start3A_93 : memref<1x2x128xi32, #tpu.memory_space<hbm>> -> memref<2x128xi32, #tpu.memory_space<hbm>>
      tpu.enqueue_dma source(%dma_start3A_94 : memref<2x128xi32, #tpu.memory_space<hbm>>) target(%arg5 : memref<2x128xi32, #tpu.memory_space<vmem>>) target_semaphore(%run_scoped3A : memref<!tpu.dma_semaphore, #tpu.memory_space<semaphore_mem>>)
      %dma_wait3A_95 = arith.constant 0 : i32
      %dma_wait3A_96 = arith.constant 0 : i32
      %dma_wait3A_97 = tpu.memref_slice %arg3[%add3A, %dma_wait3A_95, %dma_wait3A_96] : memref<32x2x128xi32, #tpu.memory_space<hbm>> -> memref<1x2x128xi32, #tpu.memory_space<hbm>>
      %dma_wait3A_98 = tpu.memref_squeeze %dma_wait3A_97 : memref<1x2x128xi32, #tpu.memory_space<hbm>> -> memref<2x128xi32, #tpu.memory_space<hbm>>
      %dma_wait3A_99 = arith.constant 0 : i32
      %dma_wait3A_100 = arith.constant 0 : i32
      %dma_wait3A_101 = tpu.memref_slice %arg3[%add3A, %dma_wait3A_99, %dma_wait3A_100] : memref<32x2x128xi32, #tpu.memory_space<hbm>> -> memref<1x2x128xi32, #tpu.memory_space<hbm>>
      %dma_wait3A_102 = tpu.memref_squeeze %dma_wait3A_101 : memref<1x2x128xi32, #tpu.memory_space<hbm>> -> memref<2x128xi32, #tpu.memory_space<hbm>>
      tpu.wait_dma2 semaphore(%run_scoped3A : memref<!tpu.dma_semaphore, #tpu.memory_space<semaphore_mem>>) src(%dma_wait3A_102 : memref<2x128xi32, #tpu.memory_space<hbm>>) dst(%arg5 : memref<2x128xi32, #tpu.memory_space<vmem>>)
      tpu.yield
    }) : () -> ()
    %barrier3A = arith.constant 0 : index
    tpu.barrier barrier_id(%barrier3A)
    %dma_start3A = arith.constant 0 : i32
    %dma_start3A_5 = arith.constant 0 : i32
    %dma_start3A_6 = arith.constant 0 : i32
    %dma_start3A_7 = tpu.memref_slice %arg6[%dma_start3A_5, %dma_start3A_6] : memref<256x128xf32, #tpu.memory_space<vmem>> -> memref<128x128xf32, #tpu.memory_space<vmem>>
    %dma_start3A_8 = arith.constant 0 : i32
    %dma_start3A_9 = tpu.memref_slice %arg5[%dma_start3A, %dma_start3A_8] : memref<2x128xi32, #tpu.memory_space<vmem>> -> memref<1x128xi32, #tpu.memory_space<vmem>>
    %dma_start3A_10 = tpu.memref_squeeze %dma_start3A_9 : memref<1x128xi32, #tpu.memory_space<vmem>> -> memref<128xi32, #tpu.memory_space<vmem>>
    %dma_start3A_11 = arith.constant 0 : i32
    %dma_start3A_12 = arith.constant 0 : i32
    %dma_start3A_13 = tpu.memref_slice %arg8[%dma_start3A_11, %dma_start3A_12] : memref<1000x128xf32, #tpu.memory_space<vmem_shared>> -> memref<1000x128xf32, #tpu.memory_space<vmem_shared>>
    tpu.enqueue_indirect_dma source(%dma_start3A_13 : memref<1000x128xf32, #tpu.memory_space<vmem_shared>>) target(%dma_start3A_7 : memref<128x128xf32, #tpu.memory_space<vmem>>) offsets(%dma_start3A_10 : memref<128xi32, #tpu.memory_space<vmem>>) semaphore(%arg9 : memref<!tpu.dma_semaphore, #tpu.memory_space<semaphore_mem>>)
    %dma_start3A_14 = arith.constant 1 : i32
    %dma_start3A_15 = arith.constant 128 : i32
    %dma_start3A_16 = arith.constant 0 : i32
    %dma_start3A_17 = tpu.memref_slice %arg6[%dma_start3A_15, %dma_start3A_16] : memref<256x128xf32, #tpu.memory_space<vmem>> -> memref<128x128xf32, #tpu.memory_space<vmem>>
    %dma_start3A_18 = arith.constant 0 : i32
    %dma_start3A_19 = tpu.memref_slice %arg5[%dma_start3A_14, %dma_start3A_18] : memref<2x128xi32, #tpu.memory_space<vmem>> -> memref<1x128xi32, #tpu.memory_space<vmem>>
    %dma_start3A_20 = tpu.memref_squeeze %dma_start3A_19 : memref<1x128xi32, #tpu.memory_space<vmem>> -> memref<128xi32, #tpu.memory_space<vmem>>
    %dma_start3A_21 = arith.constant 0 : i32
    %dma_start3A_22 = arith.constant 0 : i32
    %dma_start3A_23 = tpu.memref_slice %arg8[%dma_start3A_21, %dma_start3A_22] : memref<1000x128xf32, #tpu.memory_space<vmem_shared>> -> memref<1000x128xf32, #tpu.memory_space<vmem_shared>>
    tpu.enqueue_indirect_dma source(%dma_start3A_23 : memref<1000x128xf32, #tpu.memory_space<vmem_shared>>) target(%dma_start3A_17 : memref<128x128xf32, #tpu.memory_space<vmem>>) offsets(%dma_start3A_20 : memref<128xi32, #tpu.memory_space<vmem>>) semaphore(%arg9 : memref<!tpu.dma_semaphore, #tpu.memory_space<semaphore_mem>>)
    %dma_wait3A = arith.constant 0 : i32
    %dma_wait3A_24 = arith.constant 0 : i32
    %dma_wait3A_25 = arith.constant 0 : i32
    %dma_wait3A_26 = tpu.memref_slice %arg6[%dma_wait3A_24, %dma_wait3A_25] : memref<256x128xf32, #tpu.memory_space<vmem>> -> memref<128x128xf32, #tpu.memory_space<vmem>>
    %dma_wait3A_27 = arith.constant 0 : i32
    %dma_wait3A_28 = tpu.memref_slice %arg5[%dma_wait3A, %dma_wait3A_27] : memref<2x128xi32, #tpu.memory_space<vmem>> -> memref<1x128xi32, #tpu.memory_space<vmem>>
    %dma_wait3A_29 = tpu.memref_squeeze %dma_wait3A_28 : memref<1x128xi32, #tpu.memory_space<vmem>> -> memref<128xi32, #tpu.memory_space<vmem>>
    %dma_wait3A_30 = arith.constant 0 : i32
    %dma_wait3A_31 = arith.constant 0 : i32
    %dma_wait3A_32 = tpu.memref_slice %arg8[%dma_wait3A_30, %dma_wait3A_31] : memref<1000x128xf32, #tpu.memory_space<vmem_shared>> -> memref<1000x128xf32, #tpu.memory_space<vmem_shared>>
    tpu.wait_indirect_dma semaphore(%arg9 : memref<!tpu.dma_semaphore, #tpu.memory_space<semaphore_mem>>) src(%dma_wait3A_32 : memref<1000x128xf32, #tpu.memory_space<vmem_shared>>) dst(%dma_wait3A_26 : memref<128x128xf32, #tpu.memory_space<vmem>>)
    %add3A_33 = arith.constant 0 : i32
    %add3A_34 = arith.addi %mul3A_2, %add3A_33 : i32
    %dma_start3A_35 = arith.constant 0 : i32
    %dma_start3A_36 = arith.constant 0 : i32
    %dma_start3A_37 = tpu.memref_slice %arg6[%dma_start3A_35, %dma_start3A_36] : memref<256x128xf32, #tpu.memory_space<vmem>> -> memref<128x128xf32, #tpu.memory_space<vmem>>
    %dma_start3A_38 = arith.constant 0 : i32
    %dma_start3A_39 = tpu.memref_slice %arg4[%add3A_34, %dma_start3A_38] : memref<8192x128xf32, #tpu.memory_space<hbm>> -> memref<128x128xf32, #tpu.memory_space<hbm>>
    %dma_start3A_40 = arith.constant 0 : i32
    %dma_start3A_41 = tpu.memref_slice %arg4[%add3A_34, %dma_start3A_40] : memref<8192x128xf32, #tpu.memory_space<hbm>> -> memref<128x128xf32, #tpu.memory_space<hbm>>
    %dma_start3A_42 = arith.constant 0 : i32
    %dma_start3A_43 = arith.constant 0 : i32
    %dma_start3A_44 = tpu.memref_slice %arg6[%dma_start3A_42, %dma_start3A_43] : memref<256x128xf32, #tpu.memory_space<vmem>> -> memref<128x128xf32, #tpu.memory_space<vmem>>
    tpu.enqueue_dma source(%dma_start3A_44 : memref<128x128xf32, #tpu.memory_space<vmem>>) target(%dma_start3A_41 : memref<128x128xf32, #tpu.memory_space<hbm>>) target_semaphore(%arg10 : memref<!tpu.dma_semaphore, #tpu.memory_space<semaphore_mem>>)
    %dma_wait3A_45 = arith.constant 1 : i32
    %dma_wait3A_46 = arith.constant 128 : i32
    %dma_wait3A_47 = arith.constant 0 : i32
    %dma_wait3A_48 = tpu.memref_slice %arg6[%dma_wait3A_46, %dma_wait3A_47] : memref<256x128xf32, #tpu.memory_space<vmem>> -> memref<128x128xf32, #tpu.memory_space<vmem>>
    %dma_wait3A_49 = arith.constant 0 : i32
    %dma_wait3A_50 = tpu.memref_slice %arg5[%dma_wait3A_45, %dma_wait3A_49] : memref<2x128xi32, #tpu.memory_space<vmem>> -> memref<1x128xi32, #tpu.memory_space<vmem>>
    %dma_wait3A_51 = tpu.memref_squeeze %dma_wait3A_50 : memref<1x128xi32, #tpu.memory_space<vmem>> -> memref<128xi32, #tpu.memory_space<vmem>>
    %dma_wait3A_52 = arith.constant 0 : i32
    %dma_wait3A_53 = arith.constant 0 : i32
    %dma_wait3A_54 = tpu.memref_slice %arg8[%dma_wait3A_52, %dma_wait3A_53] : memref<1000x128xf32, #tpu.memory_space<vmem_shared>> -> memref<1000x128xf32, #tpu.memory_space<vmem_shared>>
    tpu.wait_indirect_dma semaphore(%arg9 : memref<!tpu.dma_semaphore, #tpu.memory_space<semaphore_mem>>) src(%dma_wait3A_54 : memref<1000x128xf32, #tpu.memory_space<vmem_shared>>) dst(%dma_wait3A_48 : memref<128x128xf32, #tpu.memory_space<vmem>>)
    %add3A_55 = arith.constant 128 : i32
    %add3A_56 = arith.addi %mul3A_2, %add3A_55 : i32
    %dma_start3A_57 = arith.constant 128 : i32
    %dma_start3A_58 = arith.constant 0 : i32
    %dma_start3A_59 = tpu.memref_slice %arg6[%dma_start3A_57, %dma_start3A_58] : memref<256x128xf32, #tpu.memory_space<vmem>> -> memref<128x128xf32, #tpu.memory_space<vmem>>
    %dma_start3A_60 = arith.constant 0 : i32
    %dma_start3A_61 = tpu.memref_slice %arg4[%add3A_56, %dma_start3A_60] : memref<8192x128xf32, #tpu.memory_space<hbm>> -> memref<128x128xf32, #tpu.memory_space<hbm>>
    %dma_start3A_62 = arith.constant 0 : i32
    %dma_start3A_63 = tpu.memref_slice %arg4[%add3A_56, %dma_start3A_62] : memref<8192x128xf32, #tpu.memory_space<hbm>> -> memref<128x128xf32, #tpu.memory_space<hbm>>
    %dma_start3A_64 = arith.constant 128 : i32
    %dma_start3A_65 = arith.constant 0 : i32
    %dma_start3A_66 = tpu.memref_slice %arg6[%dma_start3A_64, %dma_start3A_65] : memref<256x128xf32, #tpu.memory_space<vmem>> -> memref<128x128xf32, #tpu.memory_space<vmem>>
    tpu.enqueue_dma source(%dma_start3A_66 : memref<128x128xf32, #tpu.memory_space<vmem>>) target(%dma_start3A_63 : memref<128x128xf32, #tpu.memory_space<hbm>>) target_semaphore(%arg10 : memref<!tpu.dma_semaphore, #tpu.memory_space<semaphore_mem>>)
    %dma_wait3A_67 = arith.constant 0 : i32
    %dma_wait3A_68 = arith.constant 0 : i32
    %dma_wait3A_69 = tpu.memref_slice %arg6[%dma_wait3A_67, %dma_wait3A_68] : memref<256x128xf32, #tpu.memory_space<vmem>> -> memref<128x128xf32, #tpu.memory_space<vmem>>
    %dma_wait3A_70 = arith.constant 0 : i32
    %dma_wait3A_71 = tpu.memref_slice %arg4[%add3A_34, %dma_wait3A_70] : memref<8192x128xf32, #tpu.memory_space<hbm>> -> memref<128x128xf32, #tpu.memory_space<hbm>>
    %dma_wait3A_72 = arith.constant 0 : i32
    %dma_wait3A_73 = tpu.memref_slice %arg4[%add3A_34, %dma_wait3A_72] : memref<8192x128xf32, #tpu.memory_space<hbm>> -> memref<128x128xf32, #tpu.memory_space<hbm>>
    %dma_wait3A_74 = arith.constant 0 : i32
    %dma_wait3A_75 = arith.constant 0 : i32
    %dma_wait3A_76 = tpu.memref_slice %arg6[%dma_wait3A_74, %dma_wait3A_75] : memref<256x128xf32, #tpu.memory_space<vmem>> -> memref<128x128xf32, #tpu.memory_space<vmem>>
    tpu.wait_dma2 semaphore(%arg10 : memref<!tpu.dma_semaphore, #tpu.memory_space<semaphore_mem>>) src(%dma_wait3A_76 : memref<128x128xf32, #tpu.memory_space<vmem>>) dst(%dma_wait3A_73 : memref<128x128xf32, #tpu.memory_space<hbm>>)
    %dma_wait3A_77 = arith.constant 128 : i32
    %dma_wait3A_78 = arith.constant 0 : i32
    %dma_wait3A_79 = tpu.memref_slice %arg6[%dma_wait3A_77, %dma_wait3A_78] : memref<256x128xf32, #tpu.memory_space<vmem>> -> memref<128x128xf32, #tpu.memory_space<vmem>>
    %dma_wait3A_80 = arith.constant 0 : i32
    %dma_wait3A_81 = tpu.memref_slice %arg4[%add3A_56, %dma_wait3A_80] : memref<8192x128xf32, #tpu.memory_space<hbm>> -> memref<128x128xf32, #tpu.memory_space<hbm>>
    %dma_wait3A_82 = arith.constant 0 : i32
    %dma_wait3A_83 = tpu.memref_slice %arg4[%add3A_56, %dma_wait3A_82] : memref<8192x128xf32, #tpu.memory_space<hbm>> -> memref<128x128xf32, #tpu.memory_space<hbm>>
    %dma_wait3A_84 = arith.constant 128 : i32
    %dma_wait3A_85 = arith.constant 0 : i32
    %dma_wait3A_86 = tpu.memref_slice %arg6[%dma_wait3A_84, %dma_wait3A_85] : memref<256x128xf32, #tpu.memory_space<vmem>> -> memref<128x128xf32, #tpu.memory_space<vmem>>
    tpu.wait_dma2 semaphore(%arg10 : memref<!tpu.dma_semaphore, #tpu.memory_space<semaphore_mem>>) src(%dma_wait3A_86 : memref<128x128xf32, #tpu.memory_space<vmem>>) dst(%dma_wait3A_83 : memref<128x128xf32, #tpu.memory_space<hbm>>)
    return
  }
}

module attributes {stable_mosaic.version = 14 : i64} {
  func.func @_add_body(%arg0: i32, %arg1: i32, %arg2: memref<1x8192x128xf32, #tpu.memory_space<vmem>>, %arg3: memref<8192x128xf32, #tpu.memory_space<vmem>>, %arg4: memref<1x8192x128xf32, #tpu.memory_space<vmem>>) attributes {dimension_semantics = [#tpu.dimension_semantics<arbitrary>, #tpu.dimension_semantics<arbitrary>], iteration_bounds = array<i64: 1, 20>, scalar_prefetch = 0 : i64, scratch_operands = 0 : i64, tpu.core_type = #tpu.core_type<tc>, window_params = [{transform_indices = @transform_0, window_bounds = array<i64: 1, 8192, 128>}, {pipeline_mode = #tpu.pipeline_mode<synchronous>, transform_indices = @transform_1, window_bounds = array<i64: 8192, 128>}, {transform_indices = @transform_2, window_bounds = array<i64: 1, 8192, 128>}]} {
    %get3A = arith.constant 0 : index
    %get3A_0 = arith.constant 0 : index
    %get3A_1 = vector.load %arg3[%get3A, %get3A_0] : memref<8192x128xf32, #tpu.memory_space<vmem>>, vector<8192x128xf32>
    %get3A_2 = arith.constant 0 : index
    %get3A_3 = arith.constant 0 : index
    %get3A_4 = arith.constant 0 : index
    %get3A_5 = vector.load %arg2[%get3A_2, %get3A_3, %get3A_4] : memref<1x8192x128xf32, #tpu.memory_space<vmem>>, vector<1x8192x128xf32>
    %broadcast_in_dim3A = vector.shape_cast %get3A_1 : vector<8192x128xf32> to vector<1x8192x128xf32>
    %add3A = arith.addf %get3A_5, %broadcast_in_dim3A : vector<1x8192x128xf32>
    %swap3A = arith.constant 0 : index
    %swap3A_6 = arith.constant 0 : index
    %swap3A_7 = arith.constant 0 : index
    %swap3A_8 = vector.load %arg4[%swap3A, %swap3A_6, %swap3A_7] : memref<1x8192x128xf32, #tpu.memory_space<vmem>>, vector<1x8192x128xf32>
    tpu.vector_store %arg4[%swap3A, %swap3A_6, %swap3A_7], %add3A {strides = array<i32>} : memref<1x8192x128xf32, #tpu.memory_space<vmem>>, vector<1x8192x128xf32>,
    return
  }
  func.func @transform_0(%arg0: i32, %arg1: i32) -> (i32, i32, i32) {
    %c0_i32 = arith.constant 0 : i32
    %c0_i32_0 = arith.constant 0 : i32
    %c0_i32_1 = arith.constant 0 : i32
    return %arg1, %c0_i32, %c0_i32_0 : i32, i32, i32
  }
  func.func @transform_1(%arg0: i32, %arg1: i32) -> (i32, i32) {
    %c0_i32 = arith.constant 0 : i32
    %c0_i32_0 = arith.constant 0 : i32
    %c0_i32_1 = arith.constant 0 : i32
    return %c0_i32, %c0_i32_0 : i32, i32
  }
  func.func @transform_2(%arg0: i32, %arg1: i32) -> (i32, i32, i32) {
    %c0_i32 = arith.constant 0 : i32
    %c0_i32_0 = arith.constant 0 : i32
    %c0_i32_1 = arith.constant 0 : i32
    return %arg1, %c0_i32, %c0_i32_0 : i32, i32, i32
  }
}

module attributes {stable_mosaic.version = 14 : i64} {
  func.func @_add_body_aliased(%arg0: i32, %arg1: i32, %arg2: memref<20x16384x128xf32, #tpu.memory_space<any>>, %arg3: memref<1x8192x128xf32, #tpu.memory_space<vmem>>, %arg4: memref<8192x128xf32, #tpu.memory_space<vmem>>, %arg5: memref<1x8192x128xf32, #tpu.memory_space<vmem>>) attributes {dimension_semantics = [#tpu.dimension_semantics<arbitrary>, #tpu.dimension_semantics<arbitrary>], iteration_bounds = array<i64: 1, 20>, scalar_prefetch = 0 : i64, scratch_operands = 0 : i64, tpu.core_type = #tpu.core_type<tc>, window_params = [{}, {transform_indices = @transform_1, window_bounds = array<i64: 1, 8192, 128>}, {pipeline_mode = #tpu.pipeline_mode<synchronous>, transform_indices = @transform_2, window_bounds = array<i64: 8192, 128>}, {transform_indices = @transform_3, window_bounds = array<i64: 1, 8192, 128>}]} {
    %get3A = arith.constant 0 : index
    %get3A_0 = arith.constant 0 : index
    %get3A_1 = vector.load %arg4[%get3A, %get3A_0] : memref<8192x128xf32, #tpu.memory_space<vmem>>, vector<8192x128xf32>
    %get3A_2 = arith.constant 0 : index
    %get3A_3 = arith.constant 0 : index
    %get3A_4 = arith.constant 0 : index
    %get3A_5 = vector.load %arg3[%get3A_2, %get3A_3, %get3A_4] : memref<1x8192x128xf32, #tpu.memory_space<vmem>>, vector<1x8192x128xf32>
    %broadcast_in_dim3A = vector.shape_cast %get3A_1 : vector<8192x128xf32> to vector<1x8192x128xf32>
    %add3A = arith.addf %get3A_5, %broadcast_in_dim3A : vector<1x8192x128xf32>
    %swap3A = arith.constant 0 : index
    %swap3A_6 = arith.constant 0 : index
    %swap3A_7 = arith.constant 0 : index
    %swap3A_8 = vector.load %arg5[%swap3A, %swap3A_6, %swap3A_7] : memref<1x8192x128xf32, #tpu.memory_space<vmem>>, vector<1x8192x128xf32>
    tpu.vector_store %arg5[%swap3A, %swap3A_6, %swap3A_7], %add3A {strides = array<i32>} : memref<1x8192x128xf32, #tpu.memory_space<vmem>>, vector<1x8192x128xf32>,
    return
  }
  func.func @transform_1(%arg0: i32, %arg1: i32) -> (i32, i32, i32) {
    %c1_i32 = arith.constant 1 : i32
    %c0_i32 = arith.constant 0 : i32
    %c0_i32_0 = arith.constant 0 : i32
    return %arg1, %c1_i32, %c0_i32 : i32, i32, i32
  }
  func.func @transform_2(%arg0: i32, %arg1: i32) -> (i32, i32) {
    %c0_i32 = arith.constant 0 : i32
    %c0_i32_0 = arith.constant 0 : i32
    %c0_i32_1 = arith.constant 0 : i32
    return %c0_i32, %c0_i32_0 : i32, i32
  }
  func.func @transform_3(%arg0: i32, %arg1: i32) -> (i32, i32, i32) {
    %c1_i32 = arith.constant 1 : i32
    %c0_i32 = arith.constant 0 : i32
    %c0_i32_0 = arith.constant 0 : i32
    return %arg1, %c1_i32, %c0_i32 : i32, i32, i32
  }
}

</mosaic_0001>

<sc_bundles>
// kernel: kernel.6.cloned.1.call-start
scs
__scs_entry_jumppad:
0x0: {  	(pc) =	sbr.rel $0x88, $3  }
0x1: {  	(tag) =	ssettag $0x0;
	lr =	simm.s32 $0x1  }
0x2: {  	[smem:$0x3F9F] =	sst lr;
	_ =	strace $0xD0000000  }
0x3: {  	_ = 	snop  }
0x4: {  	_ = 	snop  }
0x5: {  	_ = 	snop  }
0x6: {  	_ = 	snop  }
0x7: {  	_ = 	snop  }
__scs_overlays_trampoline_lowered:
0x8: {  	[smem:$0x3FAE] =	sst s0  }
0x9: {  	[smem:$0x3FAF] =	sst s1  }
0xa: {  	[smem:$0x3FB0] =	sst s2  }
0xb: {  	[smem:$0x3FB1] =	sst s3  }
0xc: {  	[smem:$0x3FB2] =	sst s4  }
0xd: {  	[smem:$0x3FB3] =	sst s5  }
0xe: {  	[smem:$0x3FB4] =	sst s6  }
0xf: {  	[smem:$0x3FB5] =	sst s7  }
0x10: {  	[smem:$0x3FB6] =	sst s8  }
0x11: {  	[smem:$0x3FB7] =	sst s9;
	s0 =	simm.s32 @!p0 $0x0  }
0x12: {  	s1 =	sld [smem:$0x3F9D];
	s0 =	simm.s32 @p0 $0x1  }
0x13: {  	[smem:$0x3FB8] =	sst s0;
	s0 =	simm.s32 @!p1 $0x0  }
0x14: {  	s2 =	sld [smem:$0x3F9C];
	s0 =	simm.s32 @p1 $0x1  }
0x15: {  	[smem:$0x3FB9] =	sst s0;
	s0 =	simm.s32 @!p2 $0x0  }
0x16: {  	s3 =	sld [smem:$0x3FDB];
	s0 =	simm.s32 @p2 $0x1  }
0x17: {  	s4 =	simm.s32 $0x1BF5;
	[smem:$0x3FBB] =	sst s0  }
0x18: {  	s0 =	sld [smem:$0x3F9E];
	_ =	swait.ge [sflag:s4], $0x0  }
0x19: {  	s7 =	sld [smem:$0x3F9F]  }
0x1a: {  	s8 =	sadd.s32 $0xFFFFE003, lr  }
0x1b: {  	s9 =	sadd.s32 $0xFFFFFEF7, lr;
	s5 =	simm.s32 $0xFFFFFFFF;
	p2 =	slt.u32 s8, $0xFFFFF086  }
0x1c: {  	p1 =	slt.u32 s9, $0xF7A;
	s5 =	simm.s32 @!p2 $0x0  }
0x1d: {  	s5 =	simm.s32 @p1 $0x1;
	p0 =	seq.s32 s7, s2  }
0x1e: {  	s7 =	smul.u32 @!p0 $0xF7A, s2;
	p2 =	seq.s32 @!p0 s5, $0x0  }
0x1f: {  	s9 =	smul.u32 $0xF7A, s1;
	s8 =	simm.s32 @!p0 $0x1BF5;
	p2 =	por !p2, p0  }
0x20: {  	[sflag:s8] =	ssyncset.s32 @!p0 $0xFFFFF086;
	s6 =	sadd.s32 @!p0 s3, s7;
	s7 =	simm.s32 @!p0 $0x108  }
0x21: {  	s3 =	sadd.s32 s3, s9;
	s6 =	sadd.s32 @!p0 $0x88, s6;
	s7 =	simm.s32 @p2 $0x1082  }
0x22: {  	[simem:s7], [sflag:s8] =	dma.local @!p0 [hbm:s6], $0xF7A  }
0x23: {  	s9 =	sor.u32 $0xD0000000, s2;
	s6 =	simm.s32 $0x108;
	_ =	swait.ge @!p0 [sflag:s8], $0x0  }
0x24: {  	s3 =	sadd.s32 $0x88, s3;
	s6 =	simm.s32 @!p1 $0x1082;
	[sflag:s4] =	ssyncset.s32 $0xFFFFF086  }
0x25: {  	[simem:s6], [sflag:s4] =	dma.local [hbm:s3], $0xF7A  }
0x26: {  	[smem:$0x3F9F] =	sst s1;
	(tag) =	ssettag s2;
	_ =	strace s9  }
0x27: {  	s1 =	sld [smem:$0x3FAF]  }
0x28: {  	s2 =	sld [smem:$0x3FB0]  }
0x29: {  	s4 =	sld [smem:$0x3FB2]  }
0x2a: {  	p0 =	seq.s32 s5, $0x0;
	s5 =	sld [smem:$0x3FB3]  }
0x2b: {  	s6 =	sld [smem:$0x3FB4]  }
0x2c: {  	s7 =	sld [smem:$0x3FB5]  }
0x2d: {  	s3 =	simm.s32 $0x108;
	s8 =	sld [smem:$0x3FB6]  }
0x2e: {  	s3 =	simm.s32 @!p0 $0x1082;
	s9 =	sld [smem:$0x3FB7]  }
0x2f: {  	lr =	sadd.s32 s0, s3;
	s0 =	sld [smem:$0x3FAE]  }
0x30: {  	s3 =	sld [smem:$0x3FB1]  }
0x31: {  	[smem:$0x3FBA] =	sst s10  }
0x32: {  	s10 =	sld [smem:$0x3FB8];
	_ =	sdelay $0x3  }
0x33: {  	p0 =	seq.s32 s10, $0x1;
	s10 =	sld [smem:$0x3FBA];
	_ =	sdelay $0x3  }
0x34: {  	[smem:$0x3FBA] =	sst s10  }
0x35: {  	s10 =	sld [smem:$0x3FB9];
	_ =	sdelay $0x3  }
0x36: {  	p1 =	seq.s32 s10, $0x1;
	s10 =	sld [smem:$0x3FBA];
	_ =	sdelay $0x3  }
0x37: {  	[smem:$0x3FBA] =	sst s10  }
0x38: {  	s10 =	sld [smem:$0x3FBB]  }
0x39: {  	_ = 	snop;
	(pc) =	sbr.ind lr, $3  }
0x3a: {  	_ = 	snop  }
0x3b: {  	_ = 	snop  }
0x3c: {  	p2 =	seq.s32 s10, $0x1;
	s10 =	sld [smem:$0x3FBA]  }
0x3d: {  	_ =	shalt  }
0x3e: {  	_ =	shalt  }
0x3f: {  	_ =	shalt  }
0x40: {  	_ =	shalt  }
0x41: {  	_ =	shalt  }
0x42: {  	_ =	shalt  }
0x43: {  	_ =	shalt  }
0x44: {  	_ =	shalt  }
0x45: {  	_ =	shalt  }
0x46: {  	_ =	shalt  }
0x47: {  	_ =	shalt  }
0x48: {  	_ =	shalt  }
0x49: {  	_ =	shalt  }
0x4a: {  	_ =	shalt  }
0x4b: {  	_ =	shalt  }
0x4c: {  	_ =	shalt  }
0x4d: {  	_ =	shalt  }
0x4e: {  	_ =	shalt  }
0x4f: {  	_ =	shalt  }
0x50: {  	_ =	shalt  }
0x51: {  	_ =	shalt  }
0x52: {  	_ =	shalt  }
0x53: {  	_ =	shalt  }
0x54: {  	_ =	shalt  }
0x55: {  	_ =	shalt  }
0x56: {  	_ =	shalt  }
0x57: {  	_ =	shalt  }
0x58: {  	_ =	shalt  }
0x59: {  	_ =	shalt  }
0x5a: {  	_ =	shalt  }
0x5b: {  	_ =	shalt  }
0x5c: {  	_ =	shalt  }
0x5d: {  	_ =	shalt  }
0x5e: {  	_ =	shalt  }
0x5f: {  	_ =	shalt  }
0x60: {  	_ =	shalt  }
0x61: {  	_ =	shalt  }
0x62: {  	_ =	shalt  }
0x63: {  	_ =	shalt  }
0x64: {  	_ =	shalt  }
0x65: {  	_ =	shalt  }
0x66: {  	_ =	shalt  }
0x67: {  	_ =	shalt  }
0x68: {  	_ =	shalt  }
0x69: {  	_ =	shalt  }
0x6a: {  	_ =	shalt  }
0x6b: {  	_ =	shalt  }
0x6c: {  	_ =	shalt  }
0x6d: {  	_ =	shalt  }
0x6e: {  	_ =	shalt  }
0x6f: {  	_ =	shalt  }
0x70: {  	_ =	shalt  }
0x71: {  	_ =	shalt  }
0x72: {  	_ =	shalt  }
0x73: {  	_ =	shalt  }
0x74: {  	_ =	shalt  }
0x75: {  	_ =	shalt  }
0x76: {  	_ =	shalt  }
0x77: {  	_ =	shalt  }
0x78: {  	_ =	shalt  }
0x79: {  	_ =	shalt  }
0x7a: {  	_ =	shalt  }
0x7b: {  	_ =	shalt  }
0x7c: {  	_ =	shalt  }
0x7d: {  	_ =	shalt  }
0x7e: {  	_ =	shalt  }
0x7f: {  	_ =	shalt  }
0x80: {  	_ =	shalt  }
0x81: {  	_ =	shalt  }
0x82: {  	_ =	shalt  }
0x83: {  	_ =	shalt  }
0x84: {  	_ =	shalt  }
0x85: {  	_ =	shalt  }
0x86: {  	_ =	shalt  }
0x87: {  	_ =	shalt  }
.Lfunc_end0:
.L_simem_size_0:
called_computation_lowered:
.L_overlay_start_0:
0x88: {  	s2 =	sld [smem:$0x3FD9]  }
0x89: {  	s3 =	sld [smem:$0x3FFE];
	_ =	sdelay $0x1  }
0x8a: {  	s1 =	srdreg.scid  }
0x8b: {  	s0 =	sand.u32 $0x1, s1  }
0x8c: {  	s17 =	sshll.u32 s0, $0xA;
	s2 =	sadd.s32 s3, s2  }
0x8d: {  	s2 =	sadd.s32 s2, s17  }
0x8e: {  	[smem:$0x3FC6] =	sst s2  }
0x8f: {  	_ = 	snop  }
0x90: {  	s2 =	sld [smem:$0x3FC8]  }
0x91: {  	s18 =	sld [smem:$0x3FD0];
	(tm) =	ssettm $0x1  }
0x92: {  	s4 =	sld [smem:$0x3FFB];
	_ =	sdelay $0x3  }
0x93: {  	_ =	strace s4  }
0x94: {  	s4 =	sld [smem:$0x3FFC];
	_ =	sdelay $0x3  }
0x95: {  	_ =	strace s4  }
0x96: {  	s4 =	sld [smem:$0x3FFD];
	_ =	sdelay $0x3  }
0x97: {  	_ =	strace s4  }
0x98: {  	_ =	strace $0x8FFFFFFF  }
0x99: {  	s19 =	sld [smem:$0x3FDB];
	_ =	sdelay $0x1  }
0x9a: {  	s5 =	simm.s32 $_scs_section_size  }
0x9b: {  	s6 =	simm.s32 $_size__tile_overlayer_lowered;
	s7 =	simm.s32 $_tile_overlayer_lowered  }
0x9c: {  	s22 =	simm.s32 $0x1BFF;
	s21 =	sshll.u32 s7, $0x1;
	s4 =	sadd.s32 s5, s19  }
0x9d: {  	s8 =	simm.s32 $0x0;
	s20 =	sshll.u32 s6, $0x1;
	s6 =	sadd.s32 s21, s4  }
0x9e: {  	[timem:s8], [sflag:s22] =	dma.local [hbm:s6], s20  }
0x9f: {  	_ =	swait.ge [sflag:s22], s20  }
0xa0: {  	s5 =	ssub.s32 $0x0, s20;
	[sflag:s22] =	ssyncset.done $0x0  }
0xa1: {  	[sflag:s22] =	ssyncadd.s32 s5;
	_ =	sdelay $0x1  }
0xa2: {  	s23 =	simm.s32 $0x1B8B  }
0xa3: {  	_ =	swait.ge [sflag:s23], $0x1  }
0xa4: {  	[sflag:s23] =	ssyncset.done $0x0  }
0xa5: {  	s25 =	simm.s32 $0x1B8E;
	s24 =	sld [smem:$0x3FFE];
	[sflag:s23] =	ssyncadd.s32 $0xFFFFFFFF  }
0xa6: {  	s26 =	simm.s32 $execute0_lowered;
	[smem:$0x3FD2] =	sst s25  }
0xa7: {  	s6 =	sshll.u32 s26, $0x1;
	_ =	strace $0x80000046;
	[dreg:$0x1] =	wrdreg $0xFFFFFFFF  }
0xa8: {  	s28 =	simm.s32 $_size_execute0_lowered;
	s4 =	sadd.s32 s4, s6;
	[dreg:$0x0] =	wrdreg $0x0  }
0xa9: {  	s6 =	sshll.u32 s28, $0x1;
	[dreg:$0x2] =	wrdreg s4  }
0xaa: {  	[dreg:$0x3] =	wrdreg s6  }
0xab: {  	[dreg:$0x4] =	wrdreg $0xC0  }
0xac: {  	_ =	task [dreg:s8], $0x5FFFF  }
0xad: {  	[dreg:$0x1] =	wrdreg $0xFFFFFFFF  }
0xae: {  	[dreg:$0x0] =	wrdreg $0x60  }
0xaf: {  	[dreg:$0x2] =	wrdreg s2  }
0xb0: {  	[dreg:$0x3] =	wrdreg s24  }
0xb1: {  	[dreg:$0x4] =	wrdreg s18  }
0xb2: {  	[dreg:$0x5] =	wrdreg $0xC1000  }
0xb3: {  	[dreg:$0x6] =	wrdreg $0x9  }
0xb4: {  	_ =	task.clear_ibuf [dreg:s8], $0x7FFFF;
	_ =	strace $0x90000046  }
0xb5: {  	s29 =	simm.s32 $0x9;
	_ =	strace $0x80000048  }
0xb6: {  	_ =	swait.ge [sflag:s29], $0x1  }
0xb7: {  	[sflag:s29] =	ssyncadd.s32 $0xFFFFFFFF  }
0xb8: {  	_ =	strace $0x90000048  }
0xb9: {  	_ =	sfence  }
0xba: {  	s30 =	sld [smem:$0x0];
	_ =	sdelay $0x2  }
0xbb: {  	s31 =	sshll.u32 s1, $0xD;
	s1 =	sshrl.u32 s1, $0x2  }
0xbc: {  	s3 =	sand.u32 $0x4000, s31;
	s1 =	sadd.s32 s1, s30  }
0xbd: {  	s0 =	sor.u32 s3, s0;
	s1 =	sshll.u32 s1, $0x11  }
0xbe: {  	s0 =	sor.u32 s1, s0  }
0xbf: {  	s0 =	sadd.s32 $0x8F2B, s0  }
0xc0: {  	[sflag:s0] =	ssyncadd.remote.s32 $0x1  }
0xc1: {  	_ =	sfence.sel $0xFFFF  }
0xc2: {  	[dreg:$0x0] =	wrdreg $0xFFFFFFFF;
	(pc) =	sbr.abs _section_cstart, $3  }
0xc3: {  	[dreg:$0x1] =	wrdreg $0xFFFFFFFF  }
0xc4: {  	_ =	task.clear_ibuf [dreg:s8], $0x2FFFF;
	_ =	strace $0x9FFFFFFF  }
0xc5: {  	(tm) =	ssettm $0x7FFFFFFF  }
tec
execute0_lowered:
.L_overlay_start_1:
0x0: {  	(tag) =	ssettag $0x1  }
0x1: {  	s4 =	rddreg [dreg:$0x0]  }
0x2: {  	s5 =	rddreg [dreg:$0x1]  }
0x3: {  	s6 =	rddreg [dreg:$0x2]  }
0x4: {  	s3 =	rddreg [dreg:$0x3];
	s2 =	srdreg.scid  }
0x5: {  	s0 =	rddreg [dreg:$0x4];
	s1 =	stileid.u32;
	s12 =	simm.s32 $0x3  }
0x6: {  	p1 =	por $0x0, $0x0;
	s7 =	sand.u32 $0x1, s2;
	s2 =	simm.s32 $0x0  }
0x7: {  	s8 =	sshll.u32 s1, $0x9;
	s9 =	sshll.u32 s7, $0x8;
	s7 =	ssub.s32 $0x2, s7  }
0x8: {  	p0 =	seq.s32 s1, $0x7;
	s11 =	sshll.u32 s1, $0x7;
	s10 =	sshrl.u32 s7, $0x1  }
0x9: {  	[smem:$0x7FF] =	sst s2;
	s11 =	simm.s32 @p0 $0x368;
	s7 =	ssub.s32 s7, s10  }
0xa: {  	p0 =	sgt.u32 s1, $0x7;
	s8 =	sor.u32 s9, s8;
	s31 =	smax.u32 s7, $0x1  }
0xb: {  	_ =	strace $0x80000047;
	s29 =	sshll.u32 s11, $0x4;
	s18 =	sadd.s32 $0xFFFFFFFF, s31  }
0xc: {  	s30 =	sshll.u32 s11, $0x7;
	s16 =	simm.s32 @!p0 $0x0;
	p2 =	sne.s32 s18, $0x0  }
.Ltmp0:
0xd: {  	s15 =	simm.s32 @!p0 $0x3;
	s9 =	sshrl.u32 s8, $0x3;
	(pc) =	sbr.rel @!p2 .LBB2_3-.Ltmp0, $4  }
0xe: {  	s8 =	sshll.u32 s8, $0x4;
	s14 =	sadd.s32 s4, s29;
	s13 =	sadd.s32 s30, s3  }
0xf: {  	s10 =	simm.s32 $0x80;
	s9 =	sadd.s32 s9, s5;
	s5 =	sadd.s32 s6, s8  }
0x10: {  	s8 =	simm.s32 $0x100;
	s7 =	simm.s32 $0x4100;
	s6 =	simm.s32 $0x2  }
0x11: {  	s11 =	sadd.s32 $0xC00, s9;
	s4 =	sadd.s32 $0x800, s5;
	s9 =	simm.s32 $0x1  }
0x12: {  	s17 =	simm.s32 @!p0 $0x8100  }
0x13: {  	[tilespmem:s17], [sflag:$0x3] =	stream.linear.gather @!p0 [hbm4b:s14+s16], $0x4000, $0x38;
	[tilespmem:$0xE040] =	vst v63  }
0x14: {  	_ =	swait.ge @!p0 [sflag:s15], $0x4000  }
0x15: {  	[sflag:s15] =	ssyncset.done @!p0 $0x0  }
0x16: {  	[sflag:s15] =	ssyncadd.s32 @!p0 $0xFFFFC000  }
0x17: {  	[spmem:s13] =	stream.linear.scatter @!p0 [tilespmem:s17], [sflag:$0x3], $0x4000, $0x38;
	[tilespmem:$0xE040] =	vst v63  }
0x18: {  	_ =	swait.ge @!p0 [sflag:s15], $0x4000  }
0x19: {  	[sflag:s15] =	ssyncset.done @!p0 $0x0  }
0x1a: {  	[sflag:s15] =	ssyncadd.s32 @!p0 $0xFFFFC000  }
0x1b: {  	[tilespmem:s2], [sflag:$0x3] =	stream.linear.gather [hbm4b:s11+s2], $0x100, $0x38;
	[tilespmem:$0xE040] =	vst v63  }
0x1c: {  	_ =	swait.ge [sflag:s12], $0x100  }
0x1d: {  	[sflag:s12] =	ssyncset.done $0x0  }
0x1e: {  	[sflag:s12] =	ssyncadd.s32 $0xFFFFFF00  }
0x1f: {  	[bflag:$0x0] =	sbarrier.arrive $0xFFFF  }
0x20: {  	[tilespmem:s8], [sflag:$0x1] =	stream.indirect.gather [spmem:s3], $0x80, s2, s10, $0xb8;
	[tilespmem:$0xE040] =	vst v63  }
0x21: {  	_ = 	snop  }
0x22: {  	[tilespmem:s7], [sflag:$0x1] =	stream.indirect.gather [spmem:s3], $0x80, s10, s10, $0xb8;
	[tilespmem:$0xE040] =	vst v63  }
0x23: {  	_ =	swait.ge [sflag:s9], $0x4000  }
0x24: {  	[sflag:s9] =	ssyncset.done $0x0  }
0x25: {  	[sflag:s9] =	ssyncadd.s32 $0xFFFFC000  }
0x26: {  	[hbm4b:s5+s2] =	stream.linear.scatter [tilespmem:s8], [sflag:$0x2], $0x4000, $0x38;
	[tilespmem:$0xE040] =	vst v63  }
0x27: {  	_ =	swait.ge [sflag:s9], $0x4000  }
0x28: {  	s18 =	sadd.s32 $0xFFFFFFFF, s18;
	[sflag:s9] =	ssyncset.done $0x0  }
0x29: {  	p2 =	sne.s32 s18, $0x0;
	[sflag:s9] =	ssyncadd.s32 $0xFFFFC000  }
0x2a: {  	[hbm4b:s4+s2] =	stream.linear.scatter [tilespmem:s7], [sflag:$0x2], $0x4000, $0x38;
	[tilespmem:$0xE040] =	vst v63  }
.Ltmp1:
0x2b: {  	_ =	swait.ge [sflag:s6], $0x4000;
	(pc) =	sbr.rel @!p2 .LBB2_3-.Ltmp1, $4  }
0x2c: {  	[sflag:s6] =	ssyncset.done $0x0  }
0x2d: {  	[sflag:s6] =	ssyncadd.s32 $0xFFFFC000  }
0x2e: {  	_ =	swait.ge [sflag:s6], $0x4000  }
0x2f: {  	p1 =	por $0x1, $0x1;
	[sflag:s6] =	ssyncset.done $0x0  }
.LBB2_2:
0x30: {  	s19 =	simm.s32 @!p0 $0x0;
	[sflag:s6] =	ssyncadd.s32 $0xFFFFC000  }
0x31: {  	[tilespmem:s17], [sflag:$0x3] =	stream.linear.gather @!p0 [hbm4b:s14+s16], $0x4000, $0x38;
	[tilespmem:$0xE040] =	vst v63  }
0x32: {  	s18 =	sadd.s32 $0xFFFFFFFF, s18;
	s16 =	smov.u32 s19;
	_ =	swait.ge @!p0 [sflag:s15], $0x4000  }
0x33: {  	p2 =	sne.s32 s18, $0x0;
	[sflag:s15] =	ssyncset.done @!p0 $0x0  }
0x34: {  	[sflag:s15] =	ssyncadd.s32 @!p0 $0xFFFFC000  }
0x35: {  	[spmem:s13] =	stream.linear.scatter @!p0 [tilespmem:s17], [sflag:$0x3], $0x4000, $0x38;
	[tilespmem:$0xE040] =	vst v63  }
0x36: {  	_ =	swait.ge @!p0 [sflag:s15], $0x4000  }
0x37: {  	[sflag:s15] =	ssyncset.done @!p0 $0x0  }
0x38: {  	[sflag:s15] =	ssyncadd.s32 @!p0 $0xFFFFC000  }
0x39: {  	[tilespmem:s2], [sflag:$0x3] =	stream.linear.gather [hbm4b:s11+s2], $0x100, $0x38;
	[tilespmem:$0xE040] =	vst v63  }
0x3a: {  	_ =	swait.ge [sflag:s12], $0x100  }
0x3b: {  	[sflag:s12] =	ssyncset.done $0x0  }
0x3c: {  	[sflag:s12] =	ssyncadd.s32 $0xFFFFFF00  }
0x3d: {  	[bflag:$0x0] =	sbarrier.arrive $0xFFFF  }
0x3e: {  	[tilespmem:s8], [sflag:$0x1] =	stream.indirect.gather [spmem:s3], $0x80, s2, s10, $0xb8;
	[tilespmem:$0xE040] =	vst v63  }
0x3f: {  	_ = 	snop  }
0x40: {  	[tilespmem:s7], [sflag:$0x1] =	stream.indirect.gather [spmem:s3], $0x80, s10, s10, $0xb8;
	[tilespmem:$0xE040] =	vst v63  }
0x41: {  	_ =	swait.ge [sflag:s9], $0x4000  }
0x42: {  	[sflag:s9] =	ssyncset.done $0x0  }
0x43: {  	[sflag:s9] =	ssyncadd.s32 $0xFFFFC000  }
0x44: {  	[hbm4b:s5+s2] =	stream.linear.scatter [tilespmem:s8], [sflag:$0x2], $0x4000, $0x38;
	[tilespmem:$0xE040] =	vst v63  }
0x45: {  	_ =	swait.ge [sflag:s9], $0x4000  }
0x46: {  	[sflag:s9] =	ssyncset.done $0x0  }
0x47: {  	[sflag:s9] =	ssyncadd.s32 $0xFFFFC000  }
0x48: {  	[hbm4b:s4+s2] =	stream.linear.scatter [tilespmem:s7], [sflag:$0x2], $0x4000, $0x38;
	[tilespmem:$0xE040] =	vst v63  }
.Ltmp2:
0x49: {  	_ =	swait.ge [sflag:s6], $0x4000;
	(pc) =	sbr.rel @p2 .LBB2_2-.Ltmp2, $4  }
0x4a: {  	[sflag:s6] =	ssyncset.done $0x0  }
0x4b: {  	[sflag:s6] =	ssyncadd.s32 $0xFFFFC000  }
0x4c: {  	_ =	swait.ge [sflag:s6], $0x4000  }
0x4d: {  	[sflag:s6] =	ssyncset.done $0x0  }
.LBB2_3:
0x4e: {  	s17 =	simm.s32 @!p0 $0x8100;
	[sflag:s6] =	ssyncadd.s32 @p1 $0xFFFFC000  }
0x4f: {  	[tilespmem:s17], [sflag:$0x3] =	stream.linear.gather @!p0 [hbm4b:s14+s16], $0x4000, $0x38;
	[tilespmem:$0xE040] =	vst v63  }
0x50: {  	_ =	swait.ge @!p0 [sflag:s15], $0x4000  }
0x51: {  	[sflag:s15] =	ssyncset.done @!p0 $0x0  }
0x52: {  	[sflag:s15] =	ssyncadd.s32 @!p0 $0xFFFFC000  }
0x53: {  	[spmem:s13] =	stream.linear.scatter @!p0 [tilespmem:s17], [sflag:$0x3], $0x4000, $0x38;
	[tilespmem:$0xE040] =	vst v63  }
0x54: {  	_ =	swait.ge @!p0 [sflag:s15], $0x4000  }
0x55: {  	[sflag:s15] =	ssyncset.done @!p0 $0x0  }
0x56: {  	[sflag:s15] =	ssyncadd.s32 @!p0 $0xFFFFC000  }
0x57: {  	[tilespmem:s2], [sflag:$0x3] =	stream.linear.gather [hbm4b:s11+s2], $0x100, $0x38;
	[tilespmem:$0xE040] =	vst v63  }
0x58: {  	_ =	swait.ge [sflag:s12], $0x100  }
0x59: {  	[sflag:s12] =	ssyncset.done $0x0  }
0x5a: {  	[sflag:s12] =	ssyncadd.s32 $0xFFFFFF00  }
0x5b: {  	[bflag:$0x0] =	sbarrier.arrive $0xFFFF  }
0x5c: {  	[tilespmem:s8], [sflag:$0x1] =	stream.indirect.gather [spmem:s3], $0x80, s2, s10, $0xb8;
	[tilespmem:$0xE040] =	vst v63  }
0x5d: {  	_ = 	snop  }
0x5e: {  	[tilespmem:s7], [sflag:$0x1] =	stream.indirect.gather [spmem:s3], $0x80, s10, s10, $0xb8;
	[tilespmem:$0xE040] =	vst v63  }
0x5f: {  	_ =	swait.ge [sflag:s9], $0x4000  }
0x60: {  	[sflag:s9] =	ssyncset.done $0x0  }
0x61: {  	[sflag:s9] =	ssyncadd.s32 $0xFFFFC000  }
0x62: {  	[hbm4b:s5+s2] =	stream.linear.scatter [tilespmem:s8], [sflag:$0x2], $0x4000, $0x38;
	[tilespmem:$0xE040] =	vst v63  }
0x63: {  	_ =	swait.ge [sflag:s9], $0x4000  }
0x64: {  	[sflag:s9] =	ssyncset.done $0x0  }
0x65: {  	[sflag:s9] =	ssyncadd.s32 $0xFFFFC000  }
0x66: {  	[hbm4b:s4+s2] =	stream.linear.scatter [tilespmem:s7], [sflag:$0x2], $0x4000, $0x38;
	[tilespmem:$0xE040] =	vst v63  }
0x67: {  	_ =	swait.ge [sflag:s6], $0x4000  }
0x68: {  	[sflag:s6] =	ssyncset.done $0x0  }
0x69: {  	[sflag:s6] =	ssyncadd.s32 $0xFFFFC000  }
0x6a: {  	_ =	swait.ge [sflag:s6], $0x4000  }
0x6b: {  	[sflag:s6] =	ssyncset.done $0x0  }
0x6c: {  	[sflag:s6] =	ssyncadd.s32 $0xFFFFC000  }
0x6d: {  	_ =	sfence.sel $0x180000  }
0x6e: {  	[bflag:$0x0] =	sbarrier.arrive $0xFFFF  }
0x6f: {  	p0 =	sne.s32 s1, $0x0;
	_ =	strace $0x90000047  }
0x70: {  	s0 =	sadd.s32 @!p0 $0x100000, s0;
	[bflag:$0x2] =	sbarrier.arrive $0xFFFF  }
0x71: {  	[sflag:s0] =	ssyncadd.tile.s32 @!p0 $0x1;
	_ =	shalt  }
.Lfunc_end2:
_tile_overlayer_lowered:
.L_overlay_start_2:
0x72: {  	(tag) =	ssettag $0x2  }
0x73: {  	s0 =	rddreg [dreg:$0x0];
	s2 =	stileid.u32  }
0x74: {  	s1 =	rddreg [dreg:$0x1];
	p0 =	sne.s32 s2, $0x0  }
0x75: {  	s3 =	rddreg [dreg:$0x2];
	[bflag:$0x3] =	sbarrier.arrive $0xFFFF;
	s2 =	simm.s32 @!p0 $0x1C03  }
0x76: {  	[timem:s3], [sflag:s2] =	dma.local @!p0 [hbm:s0], s1  }
0x77: {  	s0 =	simm.s32 @!p0 $0x3  }
0x78: {  	_ =	swait.ge @!p0 [sflag:s0], s1  }
0x79: {  	s1 =	ssub.s32 @!p0 $0x0, s1;
	[sflag:s0] =	ssyncset.done @!p0 $0x0  }
0x7a: {  	[sflag:s0] =	ssyncadd.s32 @!p0 s1  }
0x7b: {  	[bflag:$0x3] =	sbarrier.arrive $0xFFFF  }
0x7c: {  	_ =	shalt  }

// kernel: kernel.9.cloned.1.call-start
scs
__scs_entry_jumppad:
0x0: {  	(pc) =	sbr.rel $0x88, $3  }
0x1: {  	(tag) =	ssettag $0x0;
	lr =	simm.s32 $0x1  }
0x2: {  	[smem:$0x3F9F] =	sst lr;
	_ =	strace $0xD0000000  }
0x3: {  	_ = 	snop  }
0x4: {  	_ = 	snop  }
0x5: {  	_ = 	snop  }
0x6: {  	_ = 	snop  }
0x7: {  	_ = 	snop  }
__scs_overlays_trampoline_lowered:
0x8: {  	[smem:$0x3FAE] =	sst s0  }
0x9: {  	[smem:$0x3FAF] =	sst s1  }
0xa: {  	[smem:$0x3FB0] =	sst s2  }
0xb: {  	[smem:$0x3FB1] =	sst s3  }
0xc: {  	[smem:$0x3FB2] =	sst s4  }
0xd: {  	[smem:$0x3FB3] =	sst s5  }
0xe: {  	[smem:$0x3FB4] =	sst s6  }
0xf: {  	[smem:$0x3FB5] =	sst s7  }
0x10: {  	[smem:$0x3FB6] =	sst s8  }
0x11: {  	[smem:$0x3FB7] =	sst s9;
	s0 =	simm.s32 @!p0 $0x0  }
0x12: {  	s1 =	sld [smem:$0x3F9D];
	s0 =	simm.s32 @p0 $0x1  }
0x13: {  	[smem:$0x3FB8] =	sst s0;
	s0 =	simm.s32 @!p1 $0x0  }
0x14: {  	s2 =	sld [smem:$0x3F9C];
	s0 =	simm.s32 @p1 $0x1  }
0x15: {  	[smem:$0x3FB9] =	sst s0;
	s0 =	simm.s32 @!p2 $0x0  }
0x16: {  	s3 =	sld [smem:$0x3FDB];
	s0 =	simm.s32 @p2 $0x1  }
0x17: {  	s4 =	simm.s32 $0x1BF5;
	[smem:$0x3FBB] =	sst s0  }
0x18: {  	s0 =	sld [smem:$0x3F9E];
	_ =	swait.ge [sflag:s4], $0x0  }
0x19: {  	s7 =	sld [smem:$0x3F9F]  }
0x1a: {  	s8 =	sadd.s32 $0xFFFFE003, lr  }
0x1b: {  	s9 =	sadd.s32 $0xFFFFFEF7, lr;
	s5 =	simm.s32 $0xFFFFFFFF;
	p2 =	slt.u32 s8, $0xFFFFF086  }
0x1c: {  	p1 =	slt.u32 s9, $0xF7A;
	s5 =	simm.s32 @!p2 $0x0  }
0x1d: {  	s5 =	simm.s32 @p1 $0x1;
	p0 =	seq.s32 s7, s2  }
0x1e: {  	s7 =	smul.u32 @!p0 $0xF7A, s2;
	p2 =	seq.s32 @!p0 s5, $0x0  }
0x1f: {  	s9 =	smul.u32 $0xF7A, s1;
	s8 =	simm.s32 @!p0 $0x1BF5;
	p2 =	por !p2, p0  }
0x20: {  	[sflag:s8] =	ssyncset.s32 @!p0 $0xFFFFF086;
	s6 =	sadd.s32 @!p0 s3, s7;
	s7 =	simm.s32 @!p0 $0x108  }
0x21: {  	s3 =	sadd.s32 s3, s9;
	s6 =	sadd.s32 @!p0 $0x88, s6;
	s7 =	simm.s32 @p2 $0x1082  }
0x22: {  	[simem:s7], [sflag:s8] =	dma.local @!p0 [hbm:s6], $0xF7A  }
0x23: {  	s9 =	sor.u32 $0xD0000000, s2;
	s6 =	simm.s32 $0x108;
	_ =	swait.ge @!p0 [sflag:s8], $0x0  }
0x24: {  	s3 =	sadd.s32 $0x88, s3;
	s6 =	simm.s32 @!p1 $0x1082;
	[sflag:s4] =	ssyncset.s32 $0xFFFFF086  }
0x25: {  	[simem:s6], [sflag:s4] =	dma.local [hbm:s3], $0xF7A  }
0x26: {  	[smem:$0x3F9F] =	sst s1;
	(tag) =	ssettag s2;
	_ =	strace s9  }
0x27: {  	s1 =	sld [smem:$0x3FAF]  }
0x28: {  	s2 =	sld [smem:$0x3FB0]  }
0x29: {  	s4 =	sld [smem:$0x3FB2]  }
0x2a: {  	p0 =	seq.s32 s5, $0x0;
	s5 =	sld [smem:$0x3FB3]  }
0x2b: {  	s6 =	sld [smem:$0x3FB4]  }
0x2c: {  	s7 =	sld [smem:$0x3FB5]  }
0x2d: {  	s3 =	simm.s32 $0x108;
	s8 =	sld [smem:$0x3FB6]  }
0x2e: {  	s3 =	simm.s32 @!p0 $0x1082;
	s9 =	sld [smem:$0x3FB7]  }
0x2f: {  	lr =	sadd.s32 s0, s3;
	s0 =	sld [smem:$0x3FAE]  }
0x30: {  	s3 =	sld [smem:$0x3FB1]  }
0x31: {  	[smem:$0x3FBA] =	sst s10  }
0x32: {  	s10 =	sld [smem:$0x3FB8];
	_ =	sdelay $0x3  }
0x33: {  	p0 =	seq.s32 s10, $0x1;
	s10 =	sld [smem:$0x3FBA];
	_ =	sdelay $0x3  }
0x34: {  	[smem:$0x3FBA] =	sst s10  }
0x35: {  	s10 =	sld [smem:$0x3FB9];
	_ =	sdelay $0x3  }
0x36: {  	p1 =	seq.s32 s10, $0x1;
	s10 =	sld [smem:$0x3FBA];
	_ =	sdelay $0x3  }
0x37: {  	[smem:$0x3FBA] =	sst s10  }
0x38: {  	s10 =	sld [smem:$0x3FBB]  }
0x39: {  	_ = 	snop;
	(pc) =	sbr.ind lr, $3  }
0x3a: {  	_ = 	snop  }
0x3b: {  	_ = 	snop  }
0x3c: {  	p2 =	seq.s32 s10, $0x1;
	s10 =	sld [smem:$0x3FBA]  }
0x3d: {  	_ =	shalt  }
0x3e: {  	_ =	shalt  }
0x3f: {  	_ =	shalt  }
0x40: {  	_ =	shalt  }
0x41: {  	_ =	shalt  }
0x42: {  	_ =	shalt  }
0x43: {  	_ =	shalt  }
0x44: {  	_ =	shalt  }
0x45: {  	_ =	shalt  }
0x46: {  	_ =	shalt  }
0x47: {  	_ =	shalt  }
0x48: {  	_ =	shalt  }
0x49: {  	_ =	shalt  }
0x4a: {  	_ =	shalt  }
0x4b: {  	_ =	shalt  }
0x4c: {  	_ =	shalt  }
0x4d: {  	_ =	shalt  }
0x4e: {  	_ =	shalt  }
0x4f: {  	_ =	shalt  }
0x50: {  	_ =	shalt  }
0x51: {  	_ =	shalt  }
0x52: {  	_ =	shalt  }
0x53: {  	_ =	shalt  }
0x54: {  	_ =	shalt  }
0x55: {  	_ =	shalt  }
0x56: {  	_ =	shalt  }
0x57: {  	_ =	shalt  }
0x58: {  	_ =	shalt  }
0x59: {  	_ =	shalt  }
0x5a: {  	_ =	shalt  }
0x5b: {  	_ =	shalt  }
0x5c: {  	_ =	shalt  }
0x5d: {  	_ =	shalt  }
0x5e: {  	_ =	shalt  }
0x5f: {  	_ =	shalt  }
0x60: {  	_ =	shalt  }
0x61: {  	_ =	shalt  }
0x62: {  	_ =	shalt  }
0x63: {  	_ =	shalt  }
0x64: {  	_ =	shalt  }
0x65: {  	_ =	shalt  }
0x66: {  	_ =	shalt  }
0x67: {  	_ =	shalt  }
0x68: {  	_ =	shalt  }
0x69: {  	_ =	shalt  }
0x6a: {  	_ =	shalt  }
0x6b: {  	_ =	shalt  }
0x6c: {  	_ =	shalt  }
0x6d: {  	_ =	shalt  }
0x6e: {  	_ =	shalt  }
0x6f: {  	_ =	shalt  }
0x70: {  	_ =	shalt  }
0x71: {  	_ =	shalt  }
0x72: {  	_ =	shalt  }
0x73: {  	_ =	shalt  }
0x74: {  	_ =	shalt  }
0x75: {  	_ =	shalt  }
0x76: {  	_ =	shalt  }
0x77: {  	_ =	shalt  }
0x78: {  	_ =	shalt  }
0x79: {  	_ =	shalt  }
0x7a: {  	_ =	shalt  }
0x7b: {  	_ =	shalt  }
0x7c: {  	_ =	shalt  }
0x7d: {  	_ =	shalt  }
0x7e: {  	_ =	shalt  }
0x7f: {  	_ =	shalt  }
0x80: {  	_ =	shalt  }
0x81: {  	_ =	shalt  }
0x82: {  	_ =	shalt  }
0x83: {  	_ =	shalt  }
0x84: {  	_ =	shalt  }
0x85: {  	_ =	shalt  }
0x86: {  	_ =	shalt  }
0x87: {  	_ =	shalt  }
.Lfunc_end0:
.L_simem_size_0:
called_computation.1_lowered:
.L_overlay_start_0:
0x88: {  	s2 =	sld [smem:$0x3FD9]  }
0x89: {  	s3 =	sld [smem:$0x3FFE];
	_ =	sdelay $0x1  }
0x8a: {  	s1 =	srdreg.scid  }
0x8b: {  	s0 =	sand.u32 $0x1, s1  }
0x8c: {  	s17 =	sshll.u32 s0, $0xA;
	s2 =	sadd.s32 s3, s2  }
0x8d: {  	s2 =	sadd.s32 s2, s17  }
0x8e: {  	[smem:$0x3FC6] =	sst s2  }
0x8f: {  	_ = 	snop  }
0x90: {  	s18 =	sld [smem:$0x3FC8];
	(tm) =	ssettm $0x1  }
0x91: {  	s19 =	sld [smem:$0x3FFB];
	_ =	sdelay $0x3  }
0x92: {  	_ =	strace s19  }
0x93: {  	s2 =	sld [smem:$0x3FFC];
	_ =	sdelay $0x3  }
0x94: {  	_ =	strace s2  }
0x95: {  	s2 =	sld [smem:$0x3FFD];
	_ =	sdelay $0x3  }
0x96: {  	_ =	strace s2  }
0x97: {  	_ =	strace $0x8FFFFFFF  }
0x98: {  	s20 =	sld [smem:$0x3FDB];
	_ =	sdelay $0x1  }
0x99: {  	s4 =	simm.s32 $_scs_section_size  }
0x9a: {  	s5 =	simm.s32 $_size__tile_overlayer_lowered;
	s6 =	simm.s32 $_tile_overlayer_lowered  }
0x9b: {  	s7 =	simm.s32 $0x1BFF;
	s21 =	sshll.u32 s6, $0x1;
	s4 =	sadd.s32 s4, s20  }
0x9c: {  	s22 =	simm.s32 $0x0;
	s5 =	sshll.u32 s5, $0x1;
	s6 =	sadd.s32 s21, s4  }
0x9d: {  	[timem:s22], [sflag:s7] =	dma.local [hbm:s6], s5  }
0x9e: {  	_ =	swait.ge [sflag:s7], s5  }
0x9f: {  	s5 =	ssub.s32 $0x0, s5;
	[sflag:s7] =	ssyncset.done $0x0  }
0xa0: {  	[sflag:s7] =	ssyncadd.s32 s5;
	_ =	sdelay $0x1  }
0xa1: {  	s23 =	simm.s32 $0x1B8B  }
0xa2: {  	_ =	swait.ge [sflag:s23], $0x1  }
0xa3: {  	[sflag:s23] =	ssyncset.done $0x0  }
0xa4: {  	[sflag:s23] =	ssyncadd.s32 $0xFFFFFFFF  }
0xa5: {  	s5 =	sld [smem:$0x0]  }
0xa6: {  	s6 =	sand.u32 $0xFFFFFFFE, s1  }
0xa7: {  	p0 =	sne.s32 s1, s6  }
0xa8: {  	s6 =	sshll.u32 @p0 s6, $0xE  }
0xa9: {  	s6 =	sadd.s32 @p0 $0x11B8D, s6;
	s7 =	sshll.u32 @p0 s5, $0x11  }
0xaa: {  	s6 =	sor.u32 @p0 s7, s6  }
0xab: {  	[sflag:s6] =	ssyncadd.remote.s32 @p0 $0x1;
	_ =	sdelay $0x1  }
0xac: {  	s6 =	simm.s32 @p0 $0x1B8D  }
0xad: {  	_ =	swait.eq @p0 [sflag:s6], $0x1  }
0xae: {  	[sflag:s6] =	ssyncadd.s32 @p0 $0xFFFFFFFF  }
0xaf: {  	s7 =	sshll.u32 @!p0 s1, $0xE  }
0xb0: {  	s7 =	sor.u32 @!p0 $0x4000, s7;
	s6 =	simm.s32 @!p0 $0x1B8D  }
0xb1: {  	s5 =	sshll.u32 @!p0 s5, $0x11;
	s7 =	sadd.s32 @!p0 $0x11B8D, s7;
	_ =	swait.eq @!p0 [sflag:s6], $0x1  }
0xb2: {  	s5 =	sor.u32 @!p0 s5, s7;
	[sflag:s6] =	ssyncadd.s32 @!p0 $0xFFFFFFFF  }
0xb3: {  	s25 =	simm.s32 $0x1B8E;
	s24 =	sld [smem:$0x3FFE];
	[sflag:s5] =	ssyncadd.remote.s32 @!p0 $0x1  }
0xb4: {  	s26 =	simm.s32 $execute0_lowered;
	[smem:$0x3FD2] =	sst s25  }
0xb5: {  	s6 =	sshll.u32 s26, $0x1;
	_ =	strace $0x80000049;
	[dreg:$0x1] =	wrdreg $0xFFFFFFFF  }
0xb6: {  	s28 =	simm.s32 $_size_execute0_lowered;
	s4 =	sadd.s32 s4, s6;
	[dreg:$0x0] =	wrdreg $0x0  }
0xb7: {  	s6 =	sshll.u32 s28, $0x1;
	[dreg:$0x2] =	wrdreg s4  }
0xb8: {  	[dreg:$0x3] =	wrdreg s6  }
0xb9: {  	[dreg:$0x4] =	wrdreg $0xC0  }
0xba: {  	_ =	task [dreg:s22], $0x5FFFF  }
0xbb: {  	[dreg:$0x1] =	wrdreg $0xFFFFFFFF  }
0xbc: {  	[dreg:$0x0] =	wrdreg $0x60  }
0xbd: {  	[dreg:$0x2] =	wrdreg s18  }
0xbe: {  	[dreg:$0x3] =	wrdreg s24  }
0xbf: {  	[dreg:$0x4] =	wrdreg $0xC1000  }
0xc0: {  	[dreg:$0x5] =	wrdreg $0xA  }
0xc1: {  	_ =	task.clear_ibuf [dreg:s22], $0x6FFFF;
	_ =	strace $0x90000049  }
0xc2: {  	s29 =	simm.s32 $0xA;
	_ =	strace $0x8000004B  }
0xc3: {  	_ =	swait.ge [sflag:s29], $0x1  }
0xc4: {  	[sflag:s29] =	ssyncadd.s32 $0xFFFFFFFF  }
0xc5: {  	_ =	strace $0x9000004B  }
0xc6: {  	_ =	sfence  }
0xc7: {  	s30 =	sld [smem:$0x0];
	_ =	sdelay $0x2  }
0xc8: {  	s31 =	sshll.u32 s1, $0xD;
	s1 =	sshrl.u32 s1, $0x2  }
0xc9: {  	s4 =	sand.u32 $0x4000, s31;
	s1 =	sadd.s32 s1, s30  }
0xca: {  	s0 =	sor.u32 s4, s0;
	s1 =	sshll.u32 s1, $0x11  }
0xcb: {  	s0 =	sor.u32 s1, s0  }
0xcc: {  	s0 =	sadd.s32 $0x8F2B, s0  }
0xcd: {  	[sflag:s0] =	ssyncadd.remote.s32 $0x1  }
0xce: {  	_ =	sfence.sel $0xFFFF  }
0xcf: {  	[dreg:$0x0] =	wrdreg $0xFFFFFFFF;
	(pc) =	sbr.abs _section_cstart, $3  }
0xd0: {  	[dreg:$0x1] =	wrdreg $0xFFFFFFFF  }
0xd1: {  	_ =	task.clear_ibuf [dreg:s22], $0x2FFFF;
	_ =	strace $0x9FFFFFFF  }
0xd2: {  	(tm) =	ssettm $0x7FFFFFFF  }
0xd3: {  	_ =	shalt  }
tec
execute0_lowered:
.L_overlay_start_1:
0x0: {  	(tag) =	ssettag $0x1  }
0x1: {  	s4 =	rddreg [dreg:$0x0]  }
0x2: {  	s1 =	srdreg.scid;
	s5 =	rddreg [dreg:$0x1]  }
0x3: {  	s0 =	stileid.u32;
	s3 =	rddreg [dreg:$0x2]  }
0x4: {  	s2 =	simm.s32 $0x0;
	s12 =	simm.s32 $0x3;
	s11 =	simm.s32 $0x80  }
0x5: {  	p1 =	por $0x0, $0x0;
	s6 =	sand.u32 $0x1, s1;
	s7 =	sshll.u32 s0, $0x9  }
0x6: {  	s1 =	rddreg [dreg:$0x3];
	s8 =	sshll.u32 s6, $0x8;
	s6 =	ssub.s32 $0x2, s6  }
0x7: {  	[smem:$0x7FF] =	sst s2;
	p0 =	seq.s32 s0, $0x7;
	s30 =	sshrl.u32 s6, $0x1  }
0x8: {  	s9 =	sshll.u32 s0, $0x7;
	_ =	strace $0x8000004A;
	s6 =	ssub.s32 s6, s30  }
0x9: {  	s9 =	simm.s32 @p0 $0x368;
	p0 =	sgt.u32 s0, $0x7;
	s6 =	smax.u32 s6, $0x1  }
0xa: {  	s7 =	sor.u32 s8, s7;
	s31 =	sshll.u32 s9, $0x4;
	s18 =	sadd.s32 $0xFFFFFFFF, s6  }
0xb: {  	s9 =	sshll.u32 s9, $0x7;
	s16 =	simm.s32 @!p0 $0x0;
	p2 =	sne.s32 s18, $0x0  }
.Ltmp0:
0xc: {  	s15 =	simm.s32 @!p0 $0x3;
	s8 =	sshrl.u32 s7, $0x3;
	(pc) =	sbr.rel @!p2 .LBB2_3-.Ltmp0, $4  }
0xd: {  	s7 =	sshll.u32 s7, $0x4;
	s14 =	sadd.s32 s4, s31;
	s13 =	sadd.s32 s9, s3  }
0xe: {  	s9 =	simm.s32 $0x1;
	s8 =	sadd.s32 s8, s5;
	s7 =	sadd.s32 s7, s5  }
0xf: {  	s10 =	sadd.s32 $0x1000, s8;
	s5 =	sadd.s32 $0x1400, s7;
	s4 =	sadd.s32 $0x1C00, s7  }
0x10: {  	s8 =	simm.s32 $0x100;
	s7 =	simm.s32 $0x4100;
	s6 =	simm.s32 $0x2  }
0x11: {  	s17 =	simm.s32 @!p0 $0x8100  }
0x12: {  	[tilespmem:s17], [sflag:$0x3] =	stream.linear.gather @!p0 [hbm4b:s14+s16], $0x4000, $0x38;
	[tilespmem:$0xE040] =	vst v63  }
0x13: {  	_ =	swait.ge @!p0 [sflag:s15], $0x4000  }
0x14: {  	[sflag:s15] =	ssyncset.done @!p0 $0x0  }
0x15: {  	[sflag:s15] =	ssyncadd.s32 @!p0 $0xFFFFC000  }
0x16: {  	[spmem:s13] =	stream.linear.scatter @!p0 [tilespmem:s17], [sflag:$0x3], $0x4000, $0x38;
	[tilespmem:$0xE040] =	vst v63  }
0x17: {  	_ =	swait.ge @!p0 [sflag:s15], $0x4000  }
0x18: {  	[sflag:s15] =	ssyncset.done @!p0 $0x0  }
0x19: {  	[sflag:s15] =	ssyncadd.s32 @!p0 $0xFFFFC000  }
0x1a: {  	[tilespmem:s2], [sflag:$0x3] =	stream.linear.gather [hbm4b:s10+s2], $0x100, $0x38;
	[tilespmem:$0xE040] =	vst v63  }
0x1b: {  	_ =	swait.ge [sflag:s12], $0x100  }
0x1c: {  	[sflag:s12] =	ssyncset.done $0x0  }
0x1d: {  	[sflag:s12] =	ssyncadd.s32 $0xFFFFFF00  }
0x1e: {  	[bflag:$0x0] =	sbarrier.arrive $0xFFFF  }
0x1f: {  	[tilespmem:s8], [sflag:$0x1] =	stream.indirect.gather [spmem:s3], $0x80, s2, s11, $0xb8;
	[tilespmem:$0xE040] =	vst v63  }
0x20: {  	_ = 	snop  }
0x21: {  	[tilespmem:s7], [sflag:$0x1] =	stream.indirect.gather [spmem:s3], $0x80, s11, s11, $0xb8;
	[tilespmem:$0xE040] =	vst v63  }
0x22: {  	_ =	swait.ge [sflag:s9], $0x4000  }
0x23: {  	[sflag:s9] =	ssyncset.done $0x0  }
0x24: {  	[sflag:s9] =	ssyncadd.s32 $0xFFFFC000  }
0x25: {  	[hbm4b:s5+s2] =	stream.linear.scatter [tilespmem:s8], [sflag:$0x2], $0x4000, $0x38;
	[tilespmem:$0xE040] =	vst v63  }
0x26: {  	_ =	swait.ge [sflag:s9], $0x4000  }
0x27: {  	s18 =	sadd.s32 $0xFFFFFFFF, s18;
	[sflag:s9] =	ssyncset.done $0x0  }
0x28: {  	p2 =	sne.s32 s18, $0x0;
	[sflag:s9] =	ssyncadd.s32 $0xFFFFC000  }
0x29: {  	[hbm4b:s4+s2] =	stream.linear.scatter [tilespmem:s7], [sflag:$0x2], $0x4000, $0x38;
	[tilespmem:$0xE040] =	vst v63  }
.Ltmp1:
0x2a: {  	_ =	swait.ge [sflag:s6], $0x4000;
	(pc) =	sbr.rel @!p2 .LBB2_3-.Ltmp1, $4  }
0x2b: {  	[sflag:s6] =	ssyncset.done $0x0  }
0x2c: {  	[sflag:s6] =	ssyncadd.s32 $0xFFFFC000  }
0x2d: {  	_ =	swait.ge [sflag:s6], $0x4000  }
0x2e: {  	p1 =	por $0x1, $0x1;
	[sflag:s6] =	ssyncset.done $0x0  }
.LBB2_2:
0x2f: {  	s19 =	simm.s32 @!p0 $0x0;
	[sflag:s6] =	ssyncadd.s32 $0xFFFFC000  }
0x30: {  	[tilespmem:s17], [sflag:$0x3] =	stream.linear.gather @!p0 [hbm4b:s14+s16], $0x4000, $0x38;
	[tilespmem:$0xE040] =	vst v63  }
0x31: {  	s18 =	sadd.s32 $0xFFFFFFFF, s18;
	s16 =	smov.u32 s19;
	_ =	swait.ge @!p0 [sflag:s15], $0x4000  }
0x32: {  	p2 =	sne.s32 s18, $0x0;
	[sflag:s15] =	ssyncset.done @!p0 $0x0  }
0x33: {  	[sflag:s15] =	ssyncadd.s32 @!p0 $0xFFFFC000  }
0x34: {  	[spmem:s13] =	stream.linear.scatter @!p0 [tilespmem:s17], [sflag:$0x3], $0x4000, $0x38;
	[tilespmem:$0xE040] =	vst v63  }
0x35: {  	_ =	swait.ge @!p0 [sflag:s15], $0x4000  }
0x36: {  	[sflag:s15] =	ssyncset.done @!p0 $0x0  }
0x37: {  	[sflag:s15] =	ssyncadd.s32 @!p0 $0xFFFFC000  }
0x38: {  	[tilespmem:s2], [sflag:$0x3] =	stream.linear.gather [hbm4b:s10+s2], $0x100, $0x38;
	[tilespmem:$0xE040] =	vst v63  }
0x39: {  	_ =	swait.ge [sflag:s12], $0x100  }
0x3a: {  	[sflag:s12] =	ssyncset.done $0x0  }
0x3b: {  	[sflag:s12] =	ssyncadd.s32 $0xFFFFFF00  }
0x3c: {  	[bflag:$0x0] =	sbarrier.arrive $0xFFFF  }
0x3d: {  	[tilespmem:s8], [sflag:$0x1] =	stream.indirect.gather [spmem:s3], $0x80, s2, s11, $0xb8;
	[tilespmem:$0xE040] =	vst v63  }
0x3e: {  	_ = 	snop  }
0x3f: {  	[tilespmem:s7], [sflag:$0x1] =	stream.indirect.gather [spmem:s3], $0x80, s11, s11, $0xb8;
	[tilespmem:$0xE040] =	vst v63  }
0x40: {  	_ =	swait.ge [sflag:s9], $0x4000  }
0x41: {  	[sflag:s9] =	ssyncset.done $0x0  }
0x42: {  	[sflag:s9] =	ssyncadd.s32 $0xFFFFC000  }
0x43: {  	[hbm4b:s5+s2] =	stream.linear.scatter [tilespmem:s8], [sflag:$0x2], $0x4000, $0x38;
	[tilespmem:$0xE040] =	vst v63  }
0x44: {  	_ =	swait.ge [sflag:s9], $0x4000  }
0x45: {  	[sflag:s9] =	ssyncset.done $0x0  }
0x46: {  	[sflag:s9] =	ssyncadd.s32 $0xFFFFC000  }
0x47: {  	[hbm4b:s4+s2] =	stream.linear.scatter [tilespmem:s7], [sflag:$0x2], $0x4000, $0x38;
	[tilespmem:$0xE040] =	vst v63  }
.Ltmp2:
0x48: {  	_ =	swait.ge [sflag:s6], $0x4000;
	(pc) =	sbr.rel @p2 .LBB2_2-.Ltmp2, $4  }
0x49: {  	[sflag:s6] =	ssyncset.done $0x0  }
0x4a: {  	[sflag:s6] =	ssyncadd.s32 $0xFFFFC000  }
0x4b: {  	_ =	swait.ge [sflag:s6], $0x4000  }
0x4c: {  	[sflag:s6] =	ssyncset.done $0x0  }
.LBB2_3:
0x4d: {  	s17 =	simm.s32 @!p0 $0x8100;
	[sflag:s6] =	ssyncadd.s32 @p1 $0xFFFFC000  }
0x4e: {  	[tilespmem:s17], [sflag:$0x3] =	stream.linear.gather @!p0 [hbm4b:s14+s16], $0x4000, $0x38;
	[tilespmem:$0xE040] =	vst v63  }
0x4f: {  	_ =	swait.ge @!p0 [sflag:s15], $0x4000  }
0x50: {  	[sflag:s15] =	ssyncset.done @!p0 $0x0  }
0x51: {  	[sflag:s15] =	ssyncadd.s32 @!p0 $0xFFFFC000  }
0x52: {  	[spmem:s13] =	stream.linear.scatter @!p0 [tilespmem:s17], [sflag:$0x3], $0x4000, $0x38;
	[tilespmem:$0xE040] =	vst v63  }
0x53: {  	_ =	swait.ge @!p0 [sflag:s15], $0x4000  }
0x54: {  	[sflag:s15] =	ssyncset.done @!p0 $0x0  }
0x55: {  	[sflag:s15] =	ssyncadd.s32 @!p0 $0xFFFFC000  }
0x56: {  	[tilespmem:s2], [sflag:$0x3] =	stream.linear.gather [hbm4b:s10+s2], $0x100, $0x38;
	[tilespmem:$0xE040] =	vst v63  }
0x57: {  	_ =	swait.ge [sflag:s12], $0x100  }
0x58: {  	[sflag:s12] =	ssyncset.done $0x0  }
0x59: {  	[sflag:s12] =	ssyncadd.s32 $0xFFFFFF00  }
0x5a: {  	[bflag:$0x0] =	sbarrier.arrive $0xFFFF  }
0x5b: {  	[tilespmem:s8], [sflag:$0x1] =	stream.indirect.gather [spmem:s3], $0x80, s2, s11, $0xb8;
	[tilespmem:$0xE040] =	vst v63  }
0x5c: {  	_ = 	snop  }
0x5d: {  	[tilespmem:s7], [sflag:$0x1] =	stream.indirect.gather [spmem:s3], $0x80, s11, s11, $0xb8;
	[tilespmem:$0xE040] =	vst v63  }
0x5e: {  	_ =	swait.ge [sflag:s9], $0x4000  }
0x5f: {  	[sflag:s9] =	ssyncset.done $0x0  }
0x60: {  	[sflag:s9] =	ssyncadd.s32 $0xFFFFC000  }
0x61: {  	[hbm4b:s5+s2] =	stream.linear.scatter [tilespmem:s8], [sflag:$0x2], $0x4000, $0x38;
	[tilespmem:$0xE040] =	vst v63  }
0x62: {  	_ =	swait.ge [sflag:s9], $0x4000  }
0x63: {  	[sflag:s9] =	ssyncset.done $0x0  }
0x64: {  	[sflag:s9] =	ssyncadd.s32 $0xFFFFC000  }
0x65: {  	[hbm4b:s4+s2] =	stream.linear.scatter [tilespmem:s7], [sflag:$0x2], $0x4000, $0x38;
	[tilespmem:$0xE040] =	vst v63  }
0x66: {  	_ =	swait.ge [sflag:s6], $0x4000  }
0x67: {  	[sflag:s6] =	ssyncset.done $0x0  }
0x68: {  	[sflag:s6] =	ssyncadd.s32 $0xFFFFC000  }
0x69: {  	_ =	swait.ge [sflag:s6], $0x4000  }
0x6a: {  	[sflag:s6] =	ssyncset.done $0x0  }
0x6b: {  	[sflag:s6] =	ssyncadd.s32 $0xFFFFC000  }
0x6c: {  	_ =	sfence.sel $0x180000  }
0x6d: {  	[bflag:$0x0] =	sbarrier.arrive $0xFFFF  }
0x6e: {  	p0 =	sne.s32 s0, $0x0;
	_ =	strace $0x9000004A  }
0x6f: {  	s0 =	sadd.s32 @!p0 $0x100000, s1;
	[bflag:$0x2] =	sbarrier.arrive $0xFFFF  }
0x70: {  	[sflag:s0] =	ssyncadd.tile.s32 @!p0 $0x1;
	_ =	shalt  }
.Lfunc_end2:
_tile_overlayer_lowered:
.L_overlay_start_2:
0x71: {  	(tag) =	ssettag $0x2  }
0x72: {  	s0 =	rddreg [dreg:$0x0];
	s2 =	stileid.u32  }
0x73: {  	s1 =	rddreg [dreg:$0x1];
	p0 =	sne.s32 s2, $0x0  }
0x74: {  	s3 =	rddreg [dreg:$0x2];
	[bflag:$0x3] =	sbarrier.arrive $0xFFFF;
	s2 =	simm.s32 @!p0 $0x1C03  }
0x75: {  	[timem:s3], [sflag:s2] =	dma.local @!p0 [hbm:s0], s1  }
0x76: {  	s0 =	simm.s32 @!p0 $0x3  }
0x77: {  	_ =	swait.ge @!p0 [sflag:s0], s1  }
0x78: {  	s1 =	ssub.s32 @!p0 $0x0, s1;
	[sflag:s0] =	ssyncset.done @!p0 $0x0  }
0x79: {  	[sflag:s0] =	ssyncadd.s32 @!p0 s1  }
0x7a: {  	[bflag:$0x3] =	sbarrier.arrive $0xFFFF  }
0x7b: {  	_ =	shalt  }

</sc_bundles>
